<compile_context>
chip_gen: v7x
topology: tpu7x:2x2x1
jax: 0.10.2.dev20260603
libtpu: 0.0.44.dev20260713+nightly
codegen_flags: <defaults>
</compile_context>

<pallas_src>
import functools

import jax
import jax.numpy as jnp
from jax import lax
from jax.experimental import pallas as pl
from jax.experimental.pallas import tpu as pltpu
from jax.experimental.pallas import tpu_sc as plsc

N = 10000
E = 320000
D = 128
C = 64
NC = 2
NS = 16
CHUNK = 128
NCHUNK = 80
E_PAD = NC * NS * NCHUNK * CHUNK
N_PAD = 10240
ROWS_PER_TILE = N_PAD // NS
DEG_W = 128

_sc_mesh = plsc.VectorSubcoreMesh(core_axis_name="c", subcore_axis_name="s")


@functools.partial(
    pl.kernel,
    mesh=_sc_mesh,
    out_type=jax.ShapeDtypeStruct((NC, N_PAD, DEG_W), jnp.float32),
    scratch_types=[
        pltpu.VMEM((NCHUNK, CHUNK), jnp.int32),
        pltpu.VMEM((CHUNK, DEG_W), jnp.float32),
        pltpu.VMEM_SHARED((N_PAD, DEG_W), jnp.float32),
        pltpu.SemaphoreType.DMA,
    ],
)
def _sc_degree(col_hbm, ones_hbm, zeros_hbm, out_hbm, col_v, ones_v, acc_sh,
               zsem):
    c = lax.axis_index("c")
    s = lax.axis_index("s")
    zcp = pltpu.async_copy(
        zeros_hbm, acc_sh.at[pl.ds(s * ROWS_PER_TILE, ROWS_PER_TILE)], zsem)
    pltpu.sync_copy(col_hbm.at[c, s], col_v)
    pltpu.sync_copy(ones_hbm, ones_v)
    zcp.wait()
    plsc.subcore_barrier()

    def body(j, carry):
        pltpu.sync_copy(ones_v, acc_sh.at[col_v.at[j]], add=True)
        return carry

    lax.fori_loop(0, NCHUNK, body, 0)
    plsc.subcore_barrier()
    pltpu.sync_copy(
        acc_sh.at[pl.ds(s * ROWS_PER_TILE, ROWS_PER_TILE)],
        out_hbm.at[c].at[pl.ds(s * ROWS_PER_TILE, ROWS_PER_TILE)],
    )


NPHASE = 2
PCHUNK = NCHUNK // NPHASE
E_PHASE = E // (NC * NS) // NPHASE
PAD_PHASE = PCHUNK * CHUNK - E_PHASE


@functools.partial(
    pl.kernel,
    mesh=_sc_mesh,
    out_type=jax.ShapeDtypeStruct((NC, N_PAD, D), jnp.float32),
    scratch_types=[
        pltpu.VMEM((PCHUNK, CHUNK), jnp.int32),
        pltpu.VMEM((PCHUNK, CHUNK), jnp.int32),
        pltpu.VMEM((CHUNK, D), jnp.float32),
        pltpu.VMEM((CHUNK, D), jnp.float32),
        pltpu.VMEM_SHARED((N_PAD, D), jnp.float32),
        pltpu.SemaphoreType.DMA,
        pltpu.SemaphoreType.DMA,
        pltpu.SemaphoreType.DMA,
    ],
)
def _sc_propagate(y_hbm, row_hbm, col_hbm, zeros_hbm, out_hbm,
                  row_v, col_v, msg0_v, msg1_v, acc_sh, sem0, sem1, zsem):
    c = lax.axis_index("c")
    s = lax.axis_index("s")
    zcp = pltpu.async_copy(
        zeros_hbm, acc_sh.at[pl.ds(s * ROWS_PER_TILE, ROWS_PER_TILE)], zsem)

    for p in range(NPHASE):
        pltpu.sync_copy(row_hbm.at[c, s].at[pl.ds(p * PCHUNK, PCHUNK)], row_v)
        pltpu.async_copy(y_hbm.at[row_v.at[0]], msg0_v, sem0)
        pltpu.sync_copy(col_hbm.at[c, s].at[pl.ds(p * PCHUNK, PCHUNK)], col_v)
        if p == 0:
            zcp.wait()
            plsc.subcore_barrier()

        def body(g, carry):
            j0 = 2 * g
            pltpu.async_copy(y_hbm.at[row_v.at[j0 + 1]], msg1_v, sem1)
            pltpu.make_async_copy(y_hbm.at[row_v.at[j0]], msg0_v, sem0).wait()
            pltpu.sync_copy(msg0_v, acc_sh.at[col_v.at[j0]], add=True)

            @pl.when(g < PCHUNK // 2 - 1)
            def _():
                pltpu.async_copy(y_hbm.at[row_v.at[j0 + 2]], msg0_v, sem0)

            pltpu.make_async_copy(y_hbm.at[row_v.at[j0 + 1]], msg1_v, sem1).wait()
            pltpu.sync_copy(msg1_v, acc_sh.at[col_v.at[j0 + 1]], add=True)
            return carry

        lax.fori_loop(0, PCHUNK // 2, body, 0)
    plsc.subcore_barrier()
    pltpu.sync_copy(
        acc_sh.at[pl.ds(s * ROWS_PER_TILE, ROWS_PER_TILE)],
        out_hbm.at[c].at[pl.ds(s * ROWS_PER_TILE, ROWS_PER_TILE)],
    )


RB = 1000


def _dis_block(dp_ref):
    d = dp_ref[0, :, 0:1] + dp_ref[1, :, 0:1] + 1.0
    return lax.rsqrt(d)


def _tcmm_body(x_ref, w_ref, y_ref):
    y_ref[...] = jnp.dot(x_ref[...], w_ref[...],
                         preferred_element_type=jnp.float32)


def _tcscale_body(u_ref, dp_ref, y_ref):
    y_ref[...] = u_ref[...] * _dis_block(dp_ref)


def _tc2_body(a_ref, y_ref, dp_ref, b_ref, w_ref, o_ref):
    dis = _dis_block(dp_ref)
    h = jnp.maximum(dis * (a_ref[0] + a_ref[1] + y_ref[...]) + b_ref[...], 0.0)
    o_ref[...] = jnp.dot(h, w_ref[...], preferred_element_type=jnp.float32) * dis


def _tc3_body(a_ref, y_ref, dp_ref, b_ref, w_ref, bo_ref, o_ref):
    dis = _dis_block(dp_ref)
    h = jnp.maximum(dis * (a_ref[0] + a_ref[1] + y_ref[...]) + b_ref[...], 0.0)
    o_ref[...] = jnp.dot(h, w_ref[...],
                         preferred_element_type=jnp.float32) + bo_ref[...]


DPW = 16
_dp_spec = pl.BlockSpec((NC, RB, DPW), lambda i: (0, i, 0))
_acc_spec = pl.BlockSpec((NC, RB, D), lambda i: (0, i, 0))
_rowblk = pl.BlockSpec((RB, D), lambda i: (i, 0))

_tc_mm = pl.pallas_call(
    _tcmm_body,
    grid=(N // RB,),
    in_specs=[
        _rowblk,
        pl.BlockSpec((D, D), lambda i: (0, 0)),
    ],
    out_specs=_rowblk,
    out_shape=jax.ShapeDtypeStruct((N, D), jnp.float32),
)

_tc_scale = pl.pallas_call(
    _tcscale_body,
    grid=(N // RB,),
    in_specs=[
        _rowblk,
        _dp_spec,
    ],
    out_specs=_rowblk,
    out_shape=jax.ShapeDtypeStruct((N, D), jnp.float32),
)

_tc2 = pl.pallas_call(
    _tc2_body,
    grid=(N // RB,),
    in_specs=[
        _acc_spec,
        _rowblk,
        _dp_spec,
        pl.BlockSpec((1, D), lambda i: (0, 0)),
        pl.BlockSpec((D, D), lambda i: (0, 0)),
    ],
    out_specs=_rowblk,
    out_shape=jax.ShapeDtypeStruct((N, D), jnp.float32),
)

_tc3 = pl.pallas_call(
    _tc3_body,
    grid=(N // RB,),
    in_specs=[
        _acc_spec,
        _rowblk,
        _dp_spec,
        pl.BlockSpec((1, D), lambda i: (0, 0)),
        pl.BlockSpec((D, C), lambda i: (0, 0)),
        pl.BlockSpec((1, C), lambda i: (0, 0)),
    ],
    out_specs=pl.BlockSpec((RB, C), lambda i: (i, 0)),
    out_shape=jax.ShapeDtypeStruct((N, C), jnp.float32),
)


def kernel(x, edge_index, W1, b1, W2, b2, W_out, b_out):
    row = edge_index[0].astype(jnp.int32)
    col = edge_index[1].astype(jnp.int32)
    n_tiles = NC * NS
    pad_rows = ((jnp.arange(n_tiles * NPHASE, dtype=jnp.int32)[:, None]
                 * PAD_PHASE
                 + jnp.arange(PAD_PHASE, dtype=jnp.int32)[None, :]) % N
                ).reshape(n_tiles, NPHASE, PAD_PHASE)
    row_p = jnp.concatenate(
        [row.reshape(n_tiles, NPHASE, E_PHASE), pad_rows],
        axis=2).reshape(NC, NS, NCHUNK, CHUNK)
    col_p = jnp.concatenate(
        [col.reshape(n_tiles, NPHASE, E_PHASE),
         jnp.broadcast_to(
             N + jnp.arange(PAD_PHASE, dtype=jnp.int32),
             (n_tiles, NPHASE, PAD_PHASE))],
        axis=2).reshape(NC, NS, NCHUNK, CHUNK)

    onesW = jnp.ones((CHUNK, DEG_W), jnp.float32)
    zerosD = jnp.zeros((ROWS_PER_TILE, D), jnp.float32)

    u1 = _tc_mm(x, W1)
    deg_parts = _sc_degree(col_p, onesW, zerosD)[:, :, :DPW]
    y1 = _tc_scale(u1, deg_parts)
    acc1 = _sc_propagate(y1, row_p, col_p, zerosD)
    y2 = _tc2(acc1, y1, deg_parts, b1.reshape(1, D), W2)
    acc2 = _sc_propagate(y2, row_p, col_p, zerosD)
    out = _tc3(acc2, y2, deg_parts, b2.reshape(1, D), W_out.T, b_out.reshape(1, C))
    return out

# --- scband reference (transcript-rebuilt; emitter-appended) ---
"""Pipeline reference for scband-gm-gcn-81028853006975 (READ-ONLY COPY).

The authoritative reference and input builder live on the scoring server;
editing this copy changes nothing except your own understanding.
"""

import jax, jax.numpy as jnp
import numpy as np

N_NODES = 10000
N_EDGES = 320000
D_IN = 128
D_HID = 128
N_CLASSES = 64


def setup_inputs(seed: int = 0) -> dict:
    key = jax.random.key(seed)
    ks = jax.random.split(key, 8)
    x = jax.random.normal(ks[0], (N_NODES, D_IN), dtype=jnp.float32)
    edge_index = jax.random.randint(ks[1], (2, N_EDGES), 0, N_NODES, dtype=jnp.int64)
    # GCNConv layer 1: weight [in, hid], bias [hid]
    W1 = jax.random.normal(ks[2], (D_IN, D_HID), dtype=jnp.float32) * (1.0 / np.sqrt(D_IN))
    b1 = jnp.zeros((D_HID,), dtype=jnp.float32)
    # GCNConv layer 2: weight [hid, hid], bias [hid]
    W2 = jax.random.normal(ks[3], (D_HID, D_HID), dtype=jnp.float32) * (1.0 / np.sqrt(D_HID))
    b2 = jnp.zeros((D_HID,), dtype=jnp.float32)
    # output Linear: torch convention weight [n_classes, hid]
    W_out = jax.random.normal(ks[4], (N_CLASSES, D_HID), dtype=jnp.float32) * (1.0 / np.sqrt(D_HID))
    b_out = jnp.zeros((N_CLASSES,), dtype=jnp.float32)
    return {"x": x, "edge_index": edge_index, "W1": W1, "b1": b1, "W2": W2, "b2": b2, "W_out": W_out, "b_out": b_out}


def _gcn_norm(edge_index, num_nodes):
    # add self loops with weight 1, compute symmetric normalization
    row, col = edge_index[0], edge_index[1]
    loop = jnp.arange(num_nodes, dtype=row.dtype)
    row = jnp.concatenate([row, loop])
    col = jnp.concatenate([col, loop])
    ew = jnp.ones((row.shape[0],), dtype=jnp.float32)
    deg = jax.ops.segment_sum(ew, col, num_segments=num_nodes)
    deg_inv_sqrt = jnp.where(deg > 0, deg ** -0.5, 0.0)
    norm = deg_inv_sqrt[row] * ew * deg_inv_sqrt[col]
    return row, col, norm


def _gcn_conv(x, row, col, norm, W, b, num_nodes):
    x = jnp.matmul(x, W)
    msg = x[row] * norm[:, None]
    out = jax.ops.segment_sum(msg, col, num_segments=num_nodes)
    return out + b


def reference(x, edge_index, W1, b1, W2, b2, W_out, b_out):
    num_nodes = x.shape[0]
    row, col, norm = _gcn_norm(edge_index, num_nodes)
    h = _gcn_conv(x, row, col, norm, W1, b1, num_nodes)
    h = jax.nn.relu(h)
    h = _gcn_conv(h, row, col, norm, W2, b2, num_nodes)
    h = jax.nn.relu(h)
    out = jnp.matmul(h, W_out.T) + b_out
    return out

if __name__ == "__main__":
    import jax
    _d = setup_inputs()
    print(jax.jit(kernel)(*tuple(_d.values())))

</pallas_src>

<mosaic_0001>
#map = affine_map<(d0, d1) -> (0, 0)>
#map1 = affine_map<(d0, d1) -> (0, 0, 0, 0)>
#map2 = affine_map<(d0, d1) -> (0, 0, 0)>
module attributes {stable_mosaic.version = 14 : i64} {
  func.func @_sc_propagate(%arg0: i32, %arg1: i32, %arg2: memref<10000x128xf32, #tpu.memory_space<hbm>>, %arg3: memref<2x16x80x128xi32, #tpu.memory_space<hbm>>, %arg4: memref<2x16x80x128xi32, #tpu.memory_space<hbm>>, %arg5: memref<640x128xf32, #tpu.memory_space<hbm>>, %arg6: memref<2x10240x128xf32, #tpu.memory_space<hbm>>, %arg7: memref<40x128xi32, #tpu.memory_space<vmem>>, %arg8: memref<40x128xi32, #tpu.memory_space<vmem>>, %arg9: memref<128x128xf32, #tpu.memory_space<vmem>>, %arg10: memref<128x128xf32, #tpu.memory_space<vmem>>, %arg11: memref<10240x128xf32, #tpu.memory_space<vmem_shared>>, %arg12: memref<!tpu.dma_semaphore, #tpu.memory_space<semaphore_mem>>, %arg13: memref<!tpu.dma_semaphore, #tpu.memory_space<semaphore_mem>>, %arg14: memref<!tpu.dma_semaphore, #tpu.memory_space<semaphore_mem>>) attributes {dimension_semantics = [#tpu.dimension_semantics<core_parallel>, #tpu.dimension_semantics<subcore_parallel>], iteration_bounds = array<i64: 2, 16>, scalar_prefetch = 0 : i64, scratch_operands = 8 : i64, tpu.core_type = #tpu.core_type<sc_vector_subcore>, window_params = [{transform_indices = #map}, {transform_indices = #map1}, {transform_indices = #map1}, {transform_indices = #map}, {transform_indices = #map2}]} {
    %mul3A = arith.constant 640 : i32
    %mul3A_0 = arith.muli %arg1, %mul3A : i32
    %dma_start3A = arith.constant 0 : i32
    %dma_start3A_1 = tpu.memref_slice %arg11[%mul3A_0, %dma_start3A] : memref<10240x128xf32, #tpu.memory_space<vmem_shared>> -> memref<640x128xf32, #tpu.memory_space<vmem_shared>>
    tpu.enqueue_dma source(%arg5 : memref<640x128xf32, #tpu.memory_space<hbm>>) target(%dma_start3A_1 : memref<640x128xf32, #tpu.memory_space<vmem_shared>>) target_semaphore(%arg14 : memref<!tpu.dma_semaphore, #tpu.memory_space<semaphore_mem>>)
    "tpu.region"() ({
      %run_scoped3A = tpu.sem_alloc : memref<!tpu.dma_semaphore, #tpu.memory_space<semaphore_mem>>
      %dma_start3A_33 = arith.constant 0 : i32
      %dma_start3A_34 = arith.constant 0 : i32
      %dma_start3A_35 = tpu.memref_slice %arg3[%arg0, %arg1, %dma_start3A_33, %dma_start3A_34] : memref<2x16x80x128xi32, #tpu.memory_space<hbm>> -> memref<1x1x80x128xi32, #tpu.memory_space<hbm>>
      %dma_start3A_36 = tpu.memref_squeeze %dma_start3A_35 : memref<1x1x80x128xi32, #tpu.memory_space<hbm>> -> memref<80x128xi32, #tpu.memory_space<hbm>>
      %dma_start3A_37 = arith.constant 0 : i32
      %dma_start3A_38 = arith.constant 0 : i32
      %dma_start3A_39 = tpu.memref_slice %dma_start3A_36[%dma_start3A_37, %dma_start3A_38] : memref<80x128xi32, #tpu.memory_space<hbm>> -> memref<40x128xi32, #tpu.memory_space<hbm>>
      %dma_start3A_40 = arith.constant 0 : i32
      %dma_start3A_41 = arith.constant 0 : i32
      %dma_start3A_42 = tpu.memref_slice %arg3[%arg0, %arg1, %dma_start3A_40, %dma_start3A_41] : memref<2x16x80x128xi32, #tpu.memory_space<hbm>> -> memref<1x1x80x128xi32, #tpu.memory_space<hbm>>
      %dma_start3A_43 = tpu.memref_squeeze %dma_start3A_42 : memref<1x1x80x128xi32, #tpu.memory_space<hbm>> -> memref<80x128xi32, #tpu.memory_space<hbm>>
      %dma_start3A_44 = arith.constant 0 : i32
      %dma_start3A_45 = arith.constant 0 : i32
      %dma_start3A_46 = tpu.memref_slice %dma_start3A_43[%dma_start3A_44, %dma_start3A_45] : memref<80x128xi32, #tpu.memory_space<hbm>> -> memref<40x128xi32, #tpu.memory_space<hbm>>
      tpu.enqueue_dma source(%dma_start3A_46 : memref<40x128xi32, #tpu.memory_space<hbm>>) target(%arg7 : memref<40x128xi32, #tpu.memory_space<vmem>>) target_semaphore(%run_scoped3A : memref<!tpu.dma_semaphore, #tpu.memory_space<semaphore_mem>>)
      %dma_wait3A_47 = arith.constant 0 : i32
      %dma_wait3A_48 = arith.constant 0 : i32
      %dma_wait3A_49 = tpu.memref_slice %arg3[%arg0, %arg1, %dma_wait3A_47, %dma_wait3A_48] : memref<2x16x80x128xi32, #tpu.memory_space<hbm>> -> memref<1x1x80x128xi32, #tpu.memory_space<hbm>>
      %dma_wait3A_50 = tpu.memref_squeeze %dma_wait3A_49 : memref<1x1x80x128xi32, #tpu.memory_space<hbm>> -> memref<80x128xi32, #tpu.memory_space<hbm>>
      %dma_wait3A_51 = arith.constant 0 : i32
      %dma_wait3A_52 = arith.constant 0 : i32
      %dma_wait3A_53 = tpu.memref_slice %dma_wait3A_50[%dma_wait3A_51, %dma_wait3A_52] : memref<80x128xi32, #tpu.memory_space<hbm>> -> memref<40x128xi32, #tpu.memory_space<hbm>>
      %dma_wait3A_54 = arith.constant 0 : i32
      %dma_wait3A_55 = arith.constant 0 : i32
      %dma_wait3A_56 = tpu.memref_slice %arg3[%arg0, %arg1, %dma_wait3A_54, %dma_wait3A_55] : memref<2x16x80x128xi32, #tpu.memory_space<hbm>> -> memref<1x1x80x128xi32, #tpu.memory_space<hbm>>
      %dma_wait3A_57 = tpu.memref_squeeze %dma_wait3A_56 : memref<1x1x80x128xi32, #tpu.memory_space<hbm>> -> memref<80x128xi32, #tpu.memory_space<hbm>>
      %dma_wait3A_58 = arith.constant 0 : i32
      %dma_wait3A_59 = arith.constant 0 : i32
      %dma_wait3A_60 = tpu.memref_slice %dma_wait3A_57[%dma_wait3A_58, %dma_wait3A_59] : memref<80x128xi32, #tpu.memory_space<hbm>> -> memref<40x128xi32, #tpu.memory_space<hbm>>
      tpu.wait_dma2 semaphore(%run_scoped3A : memref<!tpu.dma_semaphore, #tpu.memory_space<semaphore_mem>>) src(%dma_wait3A_60 : memref<40x128xi32, #tpu.memory_space<hbm>>) dst(%arg7 : memref<40x128xi32, #tpu.memory_space<vmem>>)
      tpu.yield
    }) : () -> ()
    %dma_start3A_2 = arith.constant 0 : i32
    %dma_start3A_3 = arith.constant 0 : i32
    %dma_start3A_4 = tpu.memref_slice %arg7[%dma_start3A_2, %dma_start3A_3] : memref<40x128xi32, #tpu.memory_space<vmem>> -> memref<1x128xi32, #tpu.memory_space<vmem>>
    %dma_start3A_5 = tpu.memref_squeeze %dma_start3A_4 : memref<1x128xi32, #tpu.memory_space<vmem>> -> memref<128xi32, #tpu.memory_space<vmem>>
    %dma_start3A_6 = arith.constant 0 : i32
    %dma_start3A_7 = arith.constant 0 : i32
    %dma_start3A_8 = tpu.memref_slice %arg2[%dma_start3A_6, %dma_start3A_7] : memref<10000x128xf32, #tpu.memory_space<hbm>> -> memref<10000x128xf32, #tpu.memory_space<hbm>>
    tpu.enqueue_indirect_dma source(%dma_start3A_8 : memref<10000x128xf32, #tpu.memory_space<hbm>>) target(%arg9 : memref<128x128xf32, #tpu.memory_space<vmem>>) offsets(%dma_start3A_5 : memref<128xi32, #tpu.memory_space<vmem>>) semaphore(%arg12 : memref<!tpu.dma_semaphore, #tpu.memory_space<semaphore_mem>>)
    "tpu.region"() ({
      %run_scoped3A = tpu.sem_alloc : memref<!tpu.dma_semaphore, #tpu.memory_space<semaphore_mem>>
      %dma_start3A_33 = arith.constant 0 : i32
      %dma_start3A_34 = arith.constant 0 : i32
      %dma_start3A_35 = tpu.memref_slice %arg4[%arg0, %arg1, %dma_start3A_33, %dma_start3A_34] : memref<2x16x80x128xi32, #tpu.memory_space<hbm>> -> memref<1x1x80x128xi32, #tpu.memory_space<hbm>>
      %dma_start3A_36 = tpu.memref_squeeze %dma_start3A_35 : memref<1x1x80x128xi32, #tpu.memory_space<hbm>> -> memref<80x128xi32, #tpu.memory_space<hbm>>
      %dma_start3A_37 = arith.constant 0 : i32
      %dma_start3A_38 = arith.constant 0 : i32
      %dma_start3A_39 = tpu.memref_slice %dma_start3A_36[%dma_start3A_37, %dma_start3A_38] : memref<80x128xi32, #tpu.memory_space<hbm>> -> memref<40x128xi32, #tpu.memory_space<hbm>>
      %dma_start3A_40 = arith.constant 0 : i32
      %dma_start3A_41 = arith.constant 0 : i32
      %dma_start3A_42 = tpu.memref_slice %arg4[%arg0, %arg1, %dma_start3A_40, %dma_start3A_41] : memref<2x16x80x128xi32, #tpu.memory_space<hbm>> -> memref<1x1x80x128xi32, #tpu.memory_space<hbm>>
      %dma_start3A_43 = tpu.memref_squeeze %dma_start3A_42 : memref<1x1x80x128xi32, #tpu.memory_space<hbm>> -> memref<80x128xi32, #tpu.memory_space<hbm>>
      %dma_start3A_44 = arith.constant 0 : i32
      %dma_start3A_45 = arith.constant 0 : i32
      %dma_start3A_46 = tpu.memref_slice %dma_start3A_43[%dma_start3A_44, %dma_start3A_45] : memref<80x128xi32, #tpu.memory_space<hbm>> -> memref<40x128xi32, #tpu.memory_space<hbm>>
      tpu.enqueue_dma source(%dma_start3A_46 : memref<40x128xi32, #tpu.memory_space<hbm>>) target(%arg8 : memref<40x128xi32, #tpu.memory_space<vmem>>) target_semaphore(%run_scoped3A : memref<!tpu.dma_semaphore, #tpu.memory_space<semaphore_mem>>)
      %dma_wait3A_47 = arith.constant 0 : i32
      %dma_wait3A_48 = arith.constant 0 : i32
      %dma_wait3A_49 = tpu.memref_slice %arg4[%arg0, %arg1, %dma_wait3A_47, %dma_wait3A_48] : memref<2x16x80x128xi32, #tpu.memory_space<hbm>> -> memref<1x1x80x128xi32, #tpu.memory_space<hbm>>
      %dma_wait3A_50 = tpu.memref_squeeze %dma_wait3A_49 : memref<1x1x80x128xi32, #tpu.memory_space<hbm>> -> memref<80x128xi32, #tpu.memory_space<hbm>>
      %dma_wait3A_51 = arith.constant 0 : i32
      %dma_wait3A_52 = arith.constant 0 : i32
      %dma_wait3A_53 = tpu.memref_slice %dma_wait3A_50[%dma_wait3A_51, %dma_wait3A_52] : memref<80x128xi32, #tpu.memory_space<hbm>> -> memref<40x128xi32, #tpu.memory_space<hbm>>
      %dma_wait3A_54 = arith.constant 0 : i32
      %dma_wait3A_55 = arith.constant 0 : i32
      %dma_wait3A_56 = tpu.memref_slice %arg4[%arg0, %arg1, %dma_wait3A_54, %dma_wait3A_55] : memref<2x16x80x128xi32, #tpu.memory_space<hbm>> -> memref<1x1x80x128xi32, #tpu.memory_space<hbm>>
      %dma_wait3A_57 = tpu.memref_squeeze %dma_wait3A_56 : memref<1x1x80x128xi32, #tpu.memory_space<hbm>> -> memref<80x128xi32, #tpu.memory_space<hbm>>
      %dma_wait3A_58 = arith.constant 0 : i32
      %dma_wait3A_59 = arith.constant 0 : i32
      %dma_wait3A_60 = tpu.memref_slice %dma_wait3A_57[%dma_wait3A_58, %dma_wait3A_59] : memref<80x128xi32, #tpu.memory_space<hbm>> -> memref<40x128xi32, #tpu.memory_space<hbm>>
      tpu.wait_dma2 semaphore(%run_scoped3A : memref<!tpu.dma_semaphore, #tpu.memory_space<semaphore_mem>>) src(%dma_wait3A_60 : memref<40x128xi32, #tpu.memory_space<hbm>>) dst(%arg8 : memref<40x128xi32, #tpu.memory_space<vmem>>)
      tpu.yield
    }) : () -> ()
    %dma_wait3A = arith.constant 0 : i32
    %dma_wait3A_9 = tpu.memref_slice %arg11[%mul3A_0, %dma_wait3A] : memref<10240x128xf32, #tpu.memory_space<vmem_shared>> -> memref<640x128xf32, #tpu.memory_space<vmem_shared>>
    tpu.wait_dma2 semaphore(%arg14 : memref<!tpu.dma_semaphore, #tpu.memory_space<semaphore_mem>>) src(%arg5 : memref<640x128xf32, #tpu.memory_space<hbm>>) dst(%dma_wait3A_9 : memref<640x128xf32, #tpu.memory_space<vmem_shared>>)
    %barrier3A = arith.constant 0 : index
    tpu.barrier barrier_id(%barrier3A)
    %scan3A = arith.constant 0 : i32
    %scan3A_10 = arith.constant 0 : i32
    %scan3A_11 = arith.constant 20 : i32
    %scan3A_12 = arith.addi %scan3A_10, %scan3A_11 : i32
    %scan3A_13 = arith.constant 1 : i32
    scf.for %scan3A_33 = %scan3A_10 to %scan3A_12 step %scan3A_13  : i32 {
      %mul3A_34 = arith.constant 2 : i32
      %mul3A_35 = arith.muli %mul3A_34, %scan3A_33 : i32
      %add3A = arith.constant 1 : i32
      %add3A_36 = arith.addi %mul3A_35, %add3A : i32
      %dma_start3A_37 = arith.constant 0 : i32
      %dma_start3A_38 = tpu.memref_slice %arg7[%add3A_36, %dma_start3A_37] : memref<40x128xi32, #tpu.memory_space<vmem>> -> memref<1x128xi32, #tpu.memory_space<vmem>>
      %dma_start3A_39 = tpu.memref_squeeze %dma_start3A_38 : memref<1x128xi32, #tpu.memory_space<vmem>> -> memref<128xi32, #tpu.memory_space<vmem>>
      %dma_start3A_40 = arith.constant 0 : i32
      %dma_start3A_41 = arith.constant 0 : i32
      %dma_start3A_42 = tpu.memref_slice %arg2[%dma_start3A_40, %dma_start3A_41] : memref<10000x128xf32, #tpu.memory_space<hbm>> -> memref<10000x128xf32, #tpu.memory_space<hbm>>
      tpu.enqueue_indirect_dma source(%dma_start3A_42 : memref<10000x128xf32, #tpu.memory_space<hbm>>) target(%arg10 : memref<128x128xf32, #tpu.memory_space<vmem>>) offsets(%dma_start3A_39 : memref<128xi32, #tpu.memory_space<vmem>>) semaphore(%arg13 : memref<!tpu.dma_semaphore, #tpu.memory_space<semaphore_mem>>)
      %dma_wait3A_43 = arith.constant 0 : i32
      %dma_wait3A_44 = tpu.memref_slice %arg7[%mul3A_35, %dma_wait3A_43] : memref<40x128xi32, #tpu.memory_space<vmem>> -> memref<1x128xi32, #tpu.memory_space<vmem>>
      %dma_wait3A_45 = tpu.memref_squeeze %dma_wait3A_44 : memref<1x128xi32, #tpu.memory_space<vmem>> -> memref<128xi32, #tpu.memory_space<vmem>>
      %dma_wait3A_46 = arith.constant 0 : i32
      %dma_wait3A_47 = arith.constant 0 : i32
      %dma_wait3A_48 = tpu.memref_slice %arg2[%dma_wait3A_46, %dma_wait3A_47] : memref<10000x128xf32, #tpu.memory_space<hbm>> -> memref<10000x128xf32, #tpu.memory_space<hbm>>
      tpu.wait_indirect_dma semaphore(%arg12 : memref<!tpu.dma_semaphore, #tpu.memory_space<semaphore_mem>>) src(%dma_wait3A_48 : memref<10000x128xf32, #tpu.memory_space<hbm>>) dst(%arg9 : memref<128x128xf32, #tpu.memory_space<vmem>>)
      "tpu.region"() ({
        %run_scoped3A = tpu.sem_alloc : memref<!tpu.dma_semaphore, #tpu.memory_space<semaphore_mem>>
        %dma_start3A_61 = arith.constant 0 : i32
        %dma_start3A_62 = tpu.memref_slice %arg8[%mul3A_35, %dma_start3A_61] : memref<40x128xi32, #tpu.memory_space<vmem>> -> memref<1x128xi32, #tpu.memory_space<vmem>>
        %dma_start3A_63 = tpu.memref_squeeze %dma_start3A_62 : memref<1x128xi32, #tpu.memory_space<vmem>> -> memref<128xi32, #tpu.memory_space<vmem>>
        %dma_start3A_64 = arith.constant 0 : i32
        %dma_start3A_65 = arith.constant 0 : i32
        %dma_start3A_66 = tpu.memref_slice %arg11[%dma_start3A_64, %dma_start3A_65] : memref<10240x128xf32, #tpu.memory_space<vmem_shared>> -> memref<10240x128xf32, #tpu.memory_space<vmem_shared>>
        tpu.enqueue_indirect_dma source(%arg9 : memref<128x128xf32, #tpu.memory_space<vmem>>) target(%dma_start3A_66 : memref<10240x128xf32, #tpu.memory_space<vmem_shared>>) offsets(%dma_start3A_63 : memref<128xi32, #tpu.memory_space<vmem>>) semaphore(%run_scoped3A : memref<!tpu.dma_semaphore, #tpu.memory_space<semaphore_mem>>) {add = true}
        %dma_wait3A_67 = arith.constant 0 : i32
        %dma_wait3A_68 = tpu.memref_slice %arg8[%mul3A_35, %dma_wait3A_67] : memref<40x128xi32, #tpu.memory_space<vmem>> -> memref<1x128xi32, #tpu.memory_space<vmem>>
        %dma_wait3A_69 = tpu.memref_squeeze %dma_wait3A_68 : memref<1x128xi32, #tpu.memory_space<vmem>> -> memref<128xi32, #tpu.memory_space<vmem>>
        %dma_wait3A_70 = arith.constant 0 : i32
        %dma_wait3A_71 = arith.constant 0 : i32
        %dma_wait3A_72 = tpu.memref_slice %arg11[%dma_wait3A_70, %dma_wait3A_71] : memref<10240x128xf32, #tpu.memory_space<vmem_shared>> -> memref<10240x128xf32, #tpu.memory_space<vmem_shared>>
        tpu.wait_indirect_dma semaphore(%run_scoped3A : memref<!tpu.dma_semaphore, #tpu.memory_space<semaphore_mem>>) src(%arg9 : memref<128x128xf32, #tpu.memory_space<vmem>>) dst(%dma_wait3A_72 : memref<10240x128xf32, #tpu.memory_space<vmem_shared>>)
        tpu.yield
      }) : () -> ()
      %lt3A = arith.constant 19 : i32
      %lt3A_49 = arith.cmpi slt, %scan3A_33, %lt3A : i32
      %convert_element_type3A = arith.extui %lt3A_49 : i1 to i32
      %cond3A = arith.constant 0 : i32
      %cond3A_50 = arith.cmpi ne, %convert_element_type3A, %cond3A : i32
      scf.if %cond3A_50 {
        %add3A_61 = arith.constant 2 : i32
        %add3A_62 = arith.addi %mul3A_35, %add3A_61 : i32
        %dma_start3A_63 = arith.constant 0 : i32
        %dma_start3A_64 = tpu.memref_slice %arg7[%add3A_62, %dma_start3A_63] : memref<40x128xi32, #tpu.memory_space<vmem>> -> memref<1x128xi32, #tpu.memory_space<vmem>>
        %dma_start3A_65 = tpu.memref_squeeze %dma_start3A_64 : memref<1x128xi32, #tpu.memory_space<vmem>> -> memref<128xi32, #tpu.memory_space<vmem>>
        %dma_start3A_66 = arith.constant 0 : i32
        %dma_start3A_67 = arith.constant 0 : i32
        %dma_start3A_68 = tpu.memref_slice %arg2[%dma_start3A_66, %dma_start3A_67] : memref<10000x128xf32, #tpu.memory_space<hbm>> -> memref<10000x128xf32, #tpu.memory_space<hbm>>
        tpu.enqueue_indirect_dma source(%dma_start3A_68 : memref<10000x128xf32, #tpu.memory_space<hbm>>) target(%arg9 : memref<128x128xf32, #tpu.memory_space<vmem>>) offsets(%dma_start3A_65 : memref<128xi32, #tpu.memory_space<vmem>>) semaphore(%arg12 : memref<!tpu.dma_semaphore, #tpu.memory_space<semaphore_mem>>)
      } else {
      }
      %add3A_51 = arith.constant 1 : i32
      %add3A_52 = arith.addi %mul3A_35, %add3A_51 : i32
      %dma_wait3A_53 = arith.constant 0 : i32
      %dma_wait3A_54 = tpu.memref_slice %arg7[%add3A_52, %dma_wait3A_53] : memref<40x128xi32, #tpu.memory_space<vmem>> -> memref<1x128xi32, #tpu.memory_space<vmem>>
      %dma_wait3A_55 = tpu.memref_squeeze %dma_wait3A_54 : memref<1x128xi32, #tpu.memory_space<vmem>> -> memref<128xi32, #tpu.memory_space<vmem>>
      %dma_wait3A_56 = arith.constant 0 : i32
      %dma_wait3A_57 = arith.constant 0 : i32
      %dma_wait3A_58 = tpu.memref_slice %arg2[%dma_wait3A_56, %dma_wait3A_57] : memref<10000x128xf32, #tpu.memory_space<hbm>> -> memref<10000x128xf32, #tpu.memory_space<hbm>>
      tpu.wait_indirect_dma semaphore(%arg13 : memref<!tpu.dma_semaphore, #tpu.memory_space<semaphore_mem>>) src(%dma_wait3A_58 : memref<10000x128xf32, #tpu.memory_space<hbm>>) dst(%arg10 : memref<128x128xf32, #tpu.memory_space<vmem>>)
      %add3A_59 = arith.constant 1 : i32
      %add3A_60 = arith.addi %mul3A_35, %add3A_59 : i32
      "tpu.region"() ({
        %run_scoped3A = tpu.sem_alloc : memref<!tpu.dma_semaphore, #tpu.memory_space<semaphore_mem>>
        %dma_start3A_61 = arith.constant 0 : i32
        %dma_start3A_62 = tpu.memref_slice %arg8[%add3A_60, %dma_start3A_61] : memref<40x128xi32, #tpu.memory_space<vmem>> -> memref<1x128xi32, #tpu.memory_space<vmem>>
        %dma_start3A_63 = tpu.memref_squeeze %dma_start3A_62 : memref<1x128xi32, #tpu.memory_space<vmem>> -> memref<128xi32, #tpu.memory_space<vmem>>
        %dma_start3A_64 = arith.constant 0 : i32
        %dma_start3A_65 = arith.constant 0 : i32
        %dma_start3A_66 = tpu.memref_slice %arg11[%dma_start3A_64, %dma_start3A_65] : memref<10240x128xf32, #tpu.memory_space<vmem_shared>> -> memref<10240x128xf32, #tpu.memory_space<vmem_shared>>
        tpu.enqueue_indirect_dma source(%arg10 : memref<128x128xf32, #tpu.memory_space<vmem>>) target(%dma_start3A_66 : memref<10240x128xf32, #tpu.memory_space<vmem_shared>>) offsets(%dma_start3A_63 : memref<128xi32, #tpu.memory_space<vmem>>) semaphore(%run_scoped3A : memref<!tpu.dma_semaphore, #tpu.memory_space<semaphore_mem>>) {add = true}
        %dma_wait3A_67 = arith.constant 0 : i32
        %dma_wait3A_68 = tpu.memref_slice %arg8[%add3A_60, %dma_wait3A_67] : memref<40x128xi32, #tpu.memory_space<vmem>> -> memref<1x128xi32, #tpu.memory_space<vmem>>
        %dma_wait3A_69 = tpu.memref_squeeze %dma_wait3A_68 : memref<1x128xi32, #tpu.memory_space<vmem>> -> memref<128xi32, #tpu.memory_space<vmem>>
        %dma_wait3A_70 = arith.constant 0 : i32
        %dma_wait3A_71 = arith.constant 0 : i32
        %dma_wait3A_72 = tpu.memref_slice %arg11[%dma_wait3A_70, %dma_wait3A_71] : memref<10240x128xf32, #tpu.memory_space<vmem_shared>> -> memref<10240x128xf32, #tpu.memory_space<vmem_shared>>
        tpu.wait_indirect_dma semaphore(%run_scoped3A : memref<!tpu.dma_semaphore, #tpu.memory_space<semaphore_mem>>) src(%arg10 : memref<128x128xf32, #tpu.memory_space<vmem>>) dst(%dma_wait3A_72 : memref<10240x128xf32, #tpu.memory_space<vmem_shared>>)
        tpu.yield
      }) : () -> ()
    }
    %scan3A_14 = arith.constant 20 : i32
    "tpu.region"() ({
      %run_scoped3A = tpu.sem_alloc : memref<!tpu.dma_semaphore, #tpu.memory_space<semaphore_mem>>
      %dma_start3A_33 = arith.constant 0 : i32
      %dma_start3A_34 = arith.constant 0 : i32
      %dma_start3A_35 = tpu.memref_slice %arg3[%arg0, %arg1, %dma_start3A_33, %dma_start3A_34] : memref<2x16x80x128xi32, #tpu.memory_space<hbm>> -> memref<1x1x80x128xi32, #tpu.memory_space<hbm>>
      %dma_start3A_36 = tpu.memref_squeeze %dma_start3A_35 : memref<1x1x80x128xi32, #tpu.memory_space<hbm>> -> memref<80x128xi32, #tpu.memory_space<hbm>>
      %dma_start3A_37 = arith.constant 40 : i32
      %dma_start3A_38 = arith.constant 0 : i32
      %dma_start3A_39 = tpu.memref_slice %dma_start3A_36[%dma_start3A_37, %dma_start3A_38] : memref<80x128xi32, #tpu.memory_space<hbm>> -> memref<40x128xi32, #tpu.memory_space<hbm>>
      %dma_start3A_40 = arith.constant 0 : i32
      %dma_start3A_41 = arith.constant 0 : i32
      %dma_start3A_42 = tpu.memref_slice %arg3[%arg0, %arg1, %dma_start3A_40, %dma_start3A_41] : memref<2x16x80x128xi32, #tpu.memory_space<hbm>> -> memref<1x1x80x128xi32, #tpu.memory_space<hbm>>
      %dma_start3A_43 = tpu.memref_squeeze %dma_start3A_42 : memref<1x1x80x128xi32, #tpu.memory_space<hbm>> -> memref<80x128xi32, #tpu.memory_space<hbm>>
      %dma_start3A_44 = arith.constant 40 : i32
      %dma_start3A_45 = arith.constant 0 : i32
      %dma_start3A_46 = tpu.memref_slice %dma_start3A_43[%dma_start3A_44, %dma_start3A_45] : memref<80x128xi32, #tpu.memory_space<hbm>> -> memref<40x128xi32, #tpu.memory_space<hbm>>
      tpu.enqueue_dma source(%dma_start3A_46 : memref<40x128xi32, #tpu.memory_space<hbm>>) target(%arg7 : memref<40x128xi32, #tpu.memory_space<vmem>>) target_semaphore(%run_scoped3A : memref<!tpu.dma_semaphore, #tpu.memory_space<semaphore_mem>>)
      %dma_wait3A_47 = arith.constant 0 : i32
      %dma_wait3A_48 = arith.constant 0 : i32
      %dma_wait3A_49 = tpu.memref_slice %arg3[%arg0, %arg1, %dma_wait3A_47, %dma_wait3A_48] : memref<2x16x80x128xi32, #tpu.memory_space<hbm>> -> memref<1x1x80x128xi32, #tpu.memory_space<hbm>>
      %dma_wait3A_50 = tpu.memref_squeeze %dma_wait3A_49 : memref<1x1x80x128xi32, #tpu.memory_space<hbm>> -> memref<80x128xi32, #tpu.memory_space<hbm>>
      %dma_wait3A_51 = arith.constant 40 : i32
      %dma_wait3A_52 = arith.constant 0 : i32
      %dma_wait3A_53 = tpu.memref_slice %dma_wait3A_50[%dma_wait3A_51, %dma_wait3A_52] : memref<80x128xi32, #tpu.memory_space<hbm>> -> memref<40x128xi32, #tpu.memory_space<hbm>>
      %dma_wait3A_54 = arith.constant 0 : i32
      %dma_wait3A_55 = arith.constant 0 : i32
      %dma_wait3A_56 = tpu.memref_slice %arg3[%arg0, %arg1, %dma_wait3A_54, %dma_wait3A_55] : memref<2x16x80x128xi32, #tpu.memory_space<hbm>> -> memref<1x1x80x128xi32, #tpu.memory_space<hbm>>
      %dma_wait3A_57 = tpu.memref_squeeze %dma_wait3A_56 : memref<1x1x80x128xi32, #tpu.memory_space<hbm>> -> memref<80x128xi32, #tpu.memory_space<hbm>>
      %dma_wait3A_58 = arith.constant 40 : i32
      %dma_wait3A_59 = arith.constant 0 : i32
      %dma_wait3A_60 = tpu.memref_slice %dma_wait3A_57[%dma_wait3A_58, %dma_wait3A_59] : memref<80x128xi32, #tpu.memory_space<hbm>> -> memref<40x128xi32, #tpu.memory_space<hbm>>
      tpu.wait_dma2 semaphore(%run_scoped3A : memref<!tpu.dma_semaphore, #tpu.memory_space<semaphore_mem>>) src(%dma_wait3A_60 : memref<40x128xi32, #tpu.memory_space<hbm>>) dst(%arg7 : memref<40x128xi32, #tpu.memory_space<vmem>>)
      tpu.yield
    }) : () -> ()
    %dma_start3A_15 = arith.constant 0 : i32
    %dma_start3A_16 = arith.constant 0 : i32
    %dma_start3A_17 = tpu.memref_slice %arg7[%dma_start3A_15, %dma_start3A_16] : memref<40x128xi32, #tpu.memory_space<vmem>> -> memref<1x128xi32, #tpu.memory_space<vmem>>
    %dma_start3A_18 = tpu.memref_squeeze %dma_start3A_17 : memref<1x128xi32, #tpu.memory_space<vmem>> -> memref<128xi32, #tpu.memory_space<vmem>>
    %dma_start3A_19 = arith.constant 0 : i32
    %dma_start3A_20 = arith.constant 0 : i32
    %dma_start3A_21 = tpu.memref_slice %arg2[%dma_start3A_19, %dma_start3A_20] : memref<10000x128xf32, #tpu.memory_space<hbm>> -> memref<10000x128xf32, #tpu.memory_space<hbm>>
    tpu.enqueue_indirect_dma source(%dma_start3A_21 : memref<10000x128xf32, #tpu.memory_space<hbm>>) target(%arg9 : memref<128x128xf32, #tpu.memory_space<vmem>>) offsets(%dma_start3A_18 : memref<128xi32, #tpu.memory_space<vmem>>) semaphore(%arg12 : memref<!tpu.dma_semaphore, #tpu.memory_space<semaphore_mem>>)
    "tpu.region"() ({
      %run_scoped3A = tpu.sem_alloc : memref<!tpu.dma_semaphore, #tpu.memory_space<semaphore_mem>>
      %dma_start3A_33 = arith.constant 0 : i32
      %dma_start3A_34 = arith.constant 0 : i32
      %dma_start3A_35 = tpu.memref_slice %arg4[%arg0, %arg1, %dma_start3A_33, %dma_start3A_34] : memref<2x16x80x128xi32, #tpu.memory_space<hbm>> -> memref<1x1x80x128xi32, #tpu.memory_space<hbm>>
      %dma_start3A_36 = tpu.memref_squeeze %dma_start3A_35 : memref<1x1x80x128xi32, #tpu.memory_space<hbm>> -> memref<80x128xi32, #tpu.memory_space<hbm>>
      %dma_start3A_37 = arith.constant 40 : i32
      %dma_start3A_38 = arith.constant 0 : i32
      %dma_start3A_39 = tpu.memref_slice %dma_start3A_36[%dma_start3A_37, %dma_start3A_38] : memref<80x128xi32, #tpu.memory_space<hbm>> -> memref<40x128xi32, #tpu.memory_space<hbm>>
      %dma_start3A_40 = arith.constant 0 : i32
      %dma_start3A_41 = arith.constant 0 : i32
      %dma_start3A_42 = tpu.memref_slice %arg4[%arg0, %arg1, %dma_start3A_40, %dma_start3A_41] : memref<2x16x80x128xi32, #tpu.memory_space<hbm>> -> memref<1x1x80x128xi32, #tpu.memory_space<hbm>>
      %dma_start3A_43 = tpu.memref_squeeze %dma_start3A_42 : memref<1x1x80x128xi32, #tpu.memory_space<hbm>> -> memref<80x128xi32, #tpu.memory_space<hbm>>
      %dma_start3A_44 = arith.constant 40 : i32
      %dma_start3A_45 = arith.constant 0 : i32
      %dma_start3A_46 = tpu.memref_slice %dma_start3A_43[%dma_start3A_44, %dma_start3A_45] : memref<80x128xi32, #tpu.memory_space<hbm>> -> memref<40x128xi32, #tpu.memory_space<hbm>>
      tpu.enqueue_dma source(%dma_start3A_46 : memref<40x128xi32, #tpu.memory_space<hbm>>) target(%arg8 : memref<40x128xi32, #tpu.memory_space<vmem>>) target_semaphore(%run_scoped3A : memref<!tpu.dma_semaphore, #tpu.memory_space<semaphore_mem>>)
      %dma_wait3A_47 = arith.constant 0 : i32
      %dma_wait3A_48 = arith.constant 0 : i32
      %dma_wait3A_49 = tpu.memref_slice %arg4[%arg0, %arg1, %dma_wait3A_47, %dma_wait3A_48] : memref<2x16x80x128xi32, #tpu.memory_space<hbm>> -> memref<1x1x80x128xi32, #tpu.memory_space<hbm>>
      %dma_wait3A_50 = tpu.memref_squeeze %dma_wait3A_49 : memref<1x1x80x128xi32, #tpu.memory_space<hbm>> -> memref<80x128xi32, #tpu.memory_space<hbm>>
      %dma_wait3A_51 = arith.constant 40 : i32
      %dma_wait3A_52 = arith.constant 0 : i32
      %dma_wait3A_53 = tpu.memref_slice %dma_wait3A_50[%dma_wait3A_51, %dma_wait3A_52] : memref<80x128xi32, #tpu.memory_space<hbm>> -> memref<40x128xi32, #tpu.memory_space<hbm>>
      %dma_wait3A_54 = arith.constant 0 : i32
      %dma_wait3A_55 = arith.constant 0 : i32
      %dma_wait3A_56 = tpu.memref_slice %arg4[%arg0, %arg1, %dma_wait3A_54, %dma_wait3A_55] : memref<2x16x80x128xi32, #tpu.memory_space<hbm>> -> memref<1x1x80x128xi32, #tpu.memory_space<hbm>>
      %dma_wait3A_57 = tpu.memref_squeeze %dma_wait3A_56 : memref<1x1x80x128xi32, #tpu.memory_space<hbm>> -> memref<80x128xi32, #tpu.memory_space<hbm>>
      %dma_wait3A_58 = arith.constant 40 : i32
      %dma_wait3A_59 = arith.constant 0 : i32
      %dma_wait3A_60 = tpu.memref_slice %dma_wait3A_57[%dma_wait3A_58, %dma_wait3A_59] : memref<80x128xi32, #tpu.memory_space<hbm>> -> memref<40x128xi32, #tpu.memory_space<hbm>>
      tpu.wait_dma2 semaphore(%run_scoped3A : memref<!tpu.dma_semaphore, #tpu.memory_space<semaphore_mem>>) src(%dma_wait3A_60 : memref<40x128xi32, #tpu.memory_space<hbm>>) dst(%arg8 : memref<40x128xi32, #tpu.memory_space<vmem>>)
      tpu.yield
    }) : () -> ()
    %scan3A_22 = arith.constant 0 : i32
    %scan3A_23 = arith.constant 0 : i32
    %scan3A_24 = arith.constant 20 : i32
    %scan3A_25 = arith.addi %scan3A_23, %scan3A_24 : i32
    %scan3A_26 = arith.constant 1 : i32
    scf.for %scan3A_33 = %scan3A_23 to %scan3A_25 step %scan3A_26  : i32 {
      %mul3A_34 = arith.constant 2 : i32
      %mul3A_35 = arith.muli %mul3A_34, %scan3A_33 : i32
      %add3A = arith.constant 1 : i32
      %add3A_36 = arith.addi %mul3A_35, %add3A : i32
      %dma_start3A_37 = arith.constant 0 : i32
      %dma_start3A_38 = tpu.memref_slice %arg7[%add3A_36, %dma_start3A_37] : memref<40x128xi32, #tpu.memory_space<vmem>> -> memref<1x128xi32, #tpu.memory_space<vmem>>
      %dma_start3A_39 = tpu.memref_squeeze %dma_start3A_38 : memref<1x128xi32, #tpu.memory_space<vmem>> -> memref<128xi32, #tpu.memory_space<vmem>>
      %dma_start3A_40 = arith.constant 0 : i32
      %dma_start3A_41 = arith.constant 0 : i32
      %dma_start3A_42 = tpu.memref_slice %arg2[%dma_start3A_40, %dma_start3A_41] : memref<10000x128xf32, #tpu.memory_space<hbm>> -> memref<10000x128xf32, #tpu.memory_space<hbm>>
      tpu.enqueue_indirect_dma source(%dma_start3A_42 : memref<10000x128xf32, #tpu.memory_space<hbm>>) target(%arg10 : memref<128x128xf32, #tpu.memory_space<vmem>>) offsets(%dma_start3A_39 : memref<128xi32, #tpu.memory_space<vmem>>) semaphore(%arg13 : memref<!tpu.dma_semaphore, #tpu.memory_space<semaphore_mem>>)
      %dma_wait3A_43 = arith.constant 0 : i32
      %dma_wait3A_44 = tpu.memref_slice %arg7[%mul3A_35, %dma_wait3A_43] : memref<40x128xi32, #tpu.memory_space<vmem>> -> memref<1x128xi32, #tpu.memory_space<vmem>>
      %dma_wait3A_45 = tpu.memref_squeeze %dma_wait3A_44 : memref<1x128xi32, #tpu.memory_space<vmem>> -> memref<128xi32, #tpu.memory_space<vmem>>
      %dma_wait3A_46 = arith.constant 0 : i32
      %dma_wait3A_47 = arith.constant 0 : i32
      %dma_wait3A_48 = tpu.memref_slice %arg2[%dma_wait3A_46, %dma_wait3A_47] : memref<10000x128xf32, #tpu.memory_space<hbm>> -> memref<10000x128xf32, #tpu.memory_space<hbm>>
      tpu.wait_indirect_dma semaphore(%arg12 : memref<!tpu.dma_semaphore, #tpu.memory_space<semaphore_mem>>) src(%dma_wait3A_48 : memref<10000x128xf32, #tpu.memory_space<hbm>>) dst(%arg9 : memref<128x128xf32, #tpu.memory_space<vmem>>)
      "tpu.region"() ({
        %run_scoped3A = tpu.sem_alloc : memref<!tpu.dma_semaphore, #tpu.memory_space<semaphore_mem>>
        %dma_start3A_61 = arith.constant 0 : i32
        %dma_start3A_62 = tpu.memref_slice %arg8[%mul3A_35, %dma_start3A_61] : memref<40x128xi32, #tpu.memory_space<vmem>> -> memref<1x128xi32, #tpu.memory_space<vmem>>
        %dma_start3A_63 = tpu.memref_squeeze %dma_start3A_62 : memref<1x128xi32, #tpu.memory_space<vmem>> -> memref<128xi32, #tpu.memory_space<vmem>>
        %dma_start3A_64 = arith.constant 0 : i32
        %dma_start3A_65 = arith.constant 0 : i32
        %dma_start3A_66 = tpu.memref_slice %arg11[%dma_start3A_64, %dma_start3A_65] : memref<10240x128xf32, #tpu.memory_space<vmem_shared>> -> memref<10240x128xf32, #tpu.memory_space<vmem_shared>>
        tpu.enqueue_indirect_dma source(%arg9 : memref<128x128xf32, #tpu.memory_space<vmem>>) target(%dma_start3A_66 : memref<10240x128xf32, #tpu.memory_space<vmem_shared>>) offsets(%dma_start3A_63 : memref<128xi32, #tpu.memory_space<vmem>>) semaphore(%run_scoped3A : memref<!tpu.dma_semaphore, #tpu.memory_space<semaphore_mem>>) {add = true}
        %dma_wait3A_67 = arith.constant 0 : i32
        %dma_wait3A_68 = tpu.memref_slice %arg8[%mul3A_35, %dma_wait3A_67] : memref<40x128xi32, #tpu.memory_space<vmem>> -> memref<1x128xi32, #tpu.memory_space<vmem>>
        %dma_wait3A_69 = tpu.memref_squeeze %dma_wait3A_68 : memref<1x128xi32, #tpu.memory_space<vmem>> -> memref<128xi32, #tpu.memory_space<vmem>>
        %dma_wait3A_70 = arith.constant 0 : i32
        %dma_wait3A_71 = arith.constant 0 : i32
        %dma_wait3A_72 = tpu.memref_slice %arg11[%dma_wait3A_70, %dma_wait3A_71] : memref<10240x128xf32, #tpu.memory_space<vmem_shared>> -> memref<10240x128xf32, #tpu.memory_space<vmem_shared>>
        tpu.wait_indirect_dma semaphore(%run_scoped3A : memref<!tpu.dma_semaphore, #tpu.memory_space<semaphore_mem>>) src(%arg9 : memref<128x128xf32, #tpu.memory_space<vmem>>) dst(%dma_wait3A_72 : memref<10240x128xf32, #tpu.memory_space<vmem_shared>>)
        tpu.yield
      }) : () -> ()
      %lt3A = arith.constant 19 : i32
      %lt3A_49 = arith.cmpi slt, %scan3A_33, %lt3A : i32
      %convert_element_type3A = arith.extui %lt3A_49 : i1 to i32
      %cond3A = arith.constant 0 : i32
      %cond3A_50 = arith.cmpi ne, %convert_element_type3A, %cond3A : i32
      scf.if %cond3A_50 {
        %add3A_61 = arith.constant 2 : i32
        %add3A_62 = arith.addi %mul3A_35, %add3A_61 : i32
        %dma_start3A_63 = arith.constant 0 : i32
        %dma_start3A_64 = tpu.memref_slice %arg7[%add3A_62, %dma_start3A_63] : memref<40x128xi32, #tpu.memory_space<vmem>> -> memref<1x128xi32, #tpu.memory_space<vmem>>
        %dma_start3A_65 = tpu.memref_squeeze %dma_start3A_64 : memref<1x128xi32, #tpu.memory_space<vmem>> -> memref<128xi32, #tpu.memory_space<vmem>>
        %dma_start3A_66 = arith.constant 0 : i32
        %dma_start3A_67 = arith.constant 0 : i32
        %dma_start3A_68 = tpu.memref_slice %arg2[%dma_start3A_66, %dma_start3A_67] : memref<10000x128xf32, #tpu.memory_space<hbm>> -> memref<10000x128xf32, #tpu.memory_space<hbm>>
        tpu.enqueue_indirect_dma source(%dma_start3A_68 : memref<10000x128xf32, #tpu.memory_space<hbm>>) target(%arg9 : memref<128x128xf32, #tpu.memory_space<vmem>>) offsets(%dma_start3A_65 : memref<128xi32, #tpu.memory_space<vmem>>) semaphore(%arg12 : memref<!tpu.dma_semaphore, #tpu.memory_space<semaphore_mem>>)
      } else {
      }
      %add3A_51 = arith.constant 1 : i32
      %add3A_52 = arith.addi %mul3A_35, %add3A_51 : i32
      %dma_wait3A_53 = arith.constant 0 : i32
      %dma_wait3A_54 = tpu.memref_slice %arg7[%add3A_52, %dma_wait3A_53] : memref<40x128xi32, #tpu.memory_space<vmem>> -> memref<1x128xi32, #tpu.memory_space<vmem>>
      %dma_wait3A_55 = tpu.memref_squeeze %dma_wait3A_54 : memref<1x128xi32, #tpu.memory_space<vmem>> -> memref<128xi32, #tpu.memory_space<vmem>>
      %dma_wait3A_56 = arith.constant 0 : i32
      %dma_wait3A_57 = arith.constant 0 : i32
      %dma_wait3A_58 = tpu.memref_slice %arg2[%dma_wait3A_56, %dma_wait3A_57] : memref<10000x128xf32, #tpu.memory_space<hbm>> -> memref<10000x128xf32, #tpu.memory_space<hbm>>
      tpu.wait_indirect_dma semaphore(%arg13 : memref<!tpu.dma_semaphore, #tpu.memory_space<semaphore_mem>>) src(%dma_wait3A_58 : memref<10000x128xf32, #tpu.memory_space<hbm>>) dst(%arg10 : memref<128x128xf32, #tpu.memory_space<vmem>>)
      %add3A_59 = arith.constant 1 : i32
      %add3A_60 = arith.addi %mul3A_35, %add3A_59 : i32
      "tpu.region"() ({
        %run_scoped3A = tpu.sem_alloc : memref<!tpu.dma_semaphore, #tpu.memory_space<semaphore_mem>>
        %dma_start3A_61 = arith.constant 0 : i32
        %dma_start3A_62 = tpu.memref_slice %arg8[%add3A_60, %dma_start3A_61] : memref<40x128xi32, #tpu.memory_space<vmem>> -> memref<1x128xi32, #tpu.memory_space<vmem>>
        %dma_start3A_63 = tpu.memref_squeeze %dma_start3A_62 : memref<1x128xi32, #tpu.memory_space<vmem>> -> memref<128xi32, #tpu.memory_space<vmem>>
        %dma_start3A_64 = arith.constant 0 : i32
        %dma_start3A_65 = arith.constant 0 : i32
        %dma_start3A_66 = tpu.memref_slice %arg11[%dma_start3A_64, %dma_start3A_65] : memref<10240x128xf32, #tpu.memory_space<vmem_shared>> -> memref<10240x128xf32, #tpu.memory_space<vmem_shared>>
        tpu.enqueue_indirect_dma source(%arg10 : memref<128x128xf32, #tpu.memory_space<vmem>>) target(%dma_start3A_66 : memref<10240x128xf32, #tpu.memory_space<vmem_shared>>) offsets(%dma_start3A_63 : memref<128xi32, #tpu.memory_space<vmem>>) semaphore(%run_scoped3A : memref<!tpu.dma_semaphore, #tpu.memory_space<semaphore_mem>>) {add = true}
        %dma_wait3A_67 = arith.constant 0 : i32
        %dma_wait3A_68 = tpu.memref_slice %arg8[%add3A_60, %dma_wait3A_67] : memref<40x128xi32, #tpu.memory_space<vmem>> -> memref<1x128xi32, #tpu.memory_space<vmem>>
        %dma_wait3A_69 = tpu.memref_squeeze %dma_wait3A_68 : memref<1x128xi32, #tpu.memory_space<vmem>> -> memref<128xi32, #tpu.memory_space<vmem>>
        %dma_wait3A_70 = arith.constant 0 : i32
        %dma_wait3A_71 = arith.constant 0 : i32
        %dma_wait3A_72 = tpu.memref_slice %arg11[%dma_wait3A_70, %dma_wait3A_71] : memref<10240x128xf32, #tpu.memory_space<vmem_shared>> -> memref<10240x128xf32, #tpu.memory_space<vmem_shared>>
        tpu.wait_indirect_dma semaphore(%run_scoped3A : memref<!tpu.dma_semaphore, #tpu.memory_space<semaphore_mem>>) src(%arg10 : memref<128x128xf32, #tpu.memory_space<vmem>>) dst(%dma_wait3A_72 : memref<10240x128xf32, #tpu.memory_space<vmem_shared>>)
        tpu.yield
      }) : () -> ()
    }
    %scan3A_27 = arith.constant 20 : i32
    %barrier3A_28 = arith.constant 0 : index
    tpu.barrier barrier_id(%barrier3A_28)
    %mul3A_29 = arith.constant 640 : i32
    %mul3A_30 = arith.muli %arg1, %mul3A_29 : i32
    %mul3A_31 = arith.constant 640 : i32
    %mul3A_32 = arith.muli %arg1, %mul3A_31 : i32
    "tpu.region"() ({
      %run_scoped3A = tpu.sem_alloc : memref<!tpu.dma_semaphore, #tpu.memory_space<semaphore_mem>>
      %dma_start3A_33 = arith.constant 0 : i32
      %dma_start3A_34 = arith.constant 0 : i32
      %dma_start3A_35 = tpu.memref_slice %arg6[%arg0, %dma_start3A_33, %dma_start3A_34] : memref<2x10240x128xf32, #tpu.memory_space<hbm>> -> memref<1x10240x128xf32, #tpu.memory_space<hbm>>
      %dma_start3A_36 = tpu.memref_squeeze %dma_start3A_35 : memref<1x10240x128xf32, #tpu.memory_space<hbm>> -> memref<10240x128xf32, #tpu.memory_space<hbm>>
      %dma_start3A_37 = arith.constant 0 : i32
      %dma_start3A_38 = tpu.memref_slice %dma_start3A_36[%mul3A_32, %dma_start3A_37] : memref<10240x128xf32, #tpu.memory_space<hbm>> -> memref<640x128xf32, #tpu.memory_space<hbm>>
      %dma_start3A_39 = arith.constant 0 : i32
      %dma_start3A_40 = tpu.memref_slice %arg11[%mul3A_30, %dma_start3A_39] : memref<10240x128xf32, #tpu.memory_space<vmem_shared>> -> memref<640x128xf32, #tpu.memory_space<vmem_shared>>
      tpu.enqueue_dma source(%dma_start3A_40 : memref<640x128xf32, #tpu.memory_space<vmem_shared>>) target(%dma_start3A_38 : memref<640x128xf32, #tpu.memory_space<hbm>>) target_semaphore(%run_scoped3A : memref<!tpu.dma_semaphore, #tpu.memory_space<semaphore_mem>>)
      %dma_wait3A_41 = arith.constant 0 : i32
      %dma_wait3A_42 = arith.constant 0 : i32
      %dma_wait3A_43 = tpu.memref_slice %arg6[%arg0, %dma_wait3A_41, %dma_wait3A_42] : memref<2x10240x128xf32, #tpu.memory_space<hbm>> -> memref<1x10240x128xf32, #tpu.memory_space<hbm>>
      %dma_wait3A_44 = tpu.memref_squeeze %dma_wait3A_43 : memref<1x10240x128xf32, #tpu.memory_space<hbm>> -> memref<10240x128xf32, #tpu.memory_space<hbm>>
      %dma_wait3A_45 = arith.constant 0 : i32
      %dma_wait3A_46 = tpu.memref_slice %dma_wait3A_44[%mul3A_32, %dma_wait3A_45] : memref<10240x128xf32, #tpu.memory_space<hbm>> -> memref<640x128xf32, #tpu.memory_space<hbm>>
      %dma_wait3A_47 = arith.constant 0 : i32
      %dma_wait3A_48 = tpu.memref_slice %arg11[%mul3A_30, %dma_wait3A_47] : memref<10240x128xf32, #tpu.memory_space<vmem_shared>> -> memref<640x128xf32, #tpu.memory_space<vmem_shared>>
      tpu.wait_dma2 semaphore(%run_scoped3A : memref<!tpu.dma_semaphore, #tpu.memory_space<semaphore_mem>>) src(%dma_wait3A_48 : memref<640x128xf32, #tpu.memory_space<vmem_shared>>) dst(%dma_wait3A_46 : memref<640x128xf32, #tpu.memory_space<hbm>>)
      tpu.yield
    }) : () -> ()
    return
  }
}

#map = affine_map<(d0, d1) -> (0, 0, 0, 0)>
#map1 = affine_map<(d0, d1) -> (0, 0)>
#map2 = affine_map<(d0, d1) -> (0, 0, 0)>
module attributes {stable_mosaic.version = 14 : i64} {
  func.func @_sc_degree(%arg0: i32, %arg1: i32, %arg2: memref<2x16x80x128xi32, #tpu.memory_space<hbm>>, %arg3: memref<128x128xf32, #tpu.memory_space<hbm>>, %arg4: memref<640x128xf32, #tpu.memory_space<hbm>>, %arg5: memref<2x10240x128xf32, #tpu.memory_space<hbm>>, %arg6: memref<80x128xi32, #tpu.memory_space<vmem>>, %arg7: memref<128x128xf32, #tpu.memory_space<vmem>>, %arg8: memref<10240x128xf32, #tpu.memory_space<vmem_shared>>, %arg9: memref<!tpu.dma_semaphore, #tpu.memory_space<semaphore_mem>>) attributes {dimension_semantics = [#tpu.dimension_semantics<core_parallel>, #tpu.dimension_semantics<subcore_parallel>], iteration_bounds = array<i64: 2, 16>, scalar_prefetch = 0 : i64, scratch_operands = 4 : i64, tpu.core_type = #tpu.core_type<sc_vector_subcore>, window_params = [{transform_indices = #map}, {transform_indices = #map1}, {transform_indices = #map1}, {transform_indices = #map2}]} {
    %mul3A = arith.constant 640 : i32
    %mul3A_0 = arith.muli %arg1, %mul3A : i32
    %dma_start3A = arith.constant 0 : i32
    %dma_start3A_1 = tpu.memref_slice %arg8[%mul3A_0, %dma_start3A] : memref<10240x128xf32, #tpu.memory_space<vmem_shared>> -> memref<640x128xf32, #tpu.memory_space<vmem_shared>>
    tpu.enqueue_dma source(%arg4 : memref<640x128xf32, #tpu.memory_space<hbm>>) target(%dma_start3A_1 : memref<640x128xf32, #tpu.memory_space<vmem_shared>>) target_semaphore(%arg9 : memref<!tpu.dma_semaphore, #tpu.memory_space<semaphore_mem>>)
    "tpu.region"() ({
      %run_scoped3A = tpu.sem_alloc : memref<!tpu.dma_semaphore, #tpu.memory_space<semaphore_mem>>
      %dma_start3A_13 = arith.constant 0 : i32
      %dma_start3A_14 = arith.constant 0 : i32
      %dma_start3A_15 = tpu.memref_slice %arg2[%arg0, %arg1, %dma_start3A_13, %dma_start3A_14] : memref<2x16x80x128xi32, #tpu.memory_space<hbm>> -> memref<1x1x80x128xi32, #tpu.memory_space<hbm>>
      %dma_start3A_16 = tpu.memref_squeeze %dma_start3A_15 : memref<1x1x80x128xi32, #tpu.memory_space<hbm>> -> memref<80x128xi32, #tpu.memory_space<hbm>>
      %dma_start3A_17 = arith.constant 0 : i32
      %dma_start3A_18 = arith.constant 0 : i32
      %dma_start3A_19 = tpu.memref_slice %arg2[%arg0, %arg1, %dma_start3A_17, %dma_start3A_18] : memref<2x16x80x128xi32, #tpu.memory_space<hbm>> -> memref<1x1x80x128xi32, #tpu.memory_space<hbm>>
      %dma_start3A_20 = tpu.memref_squeeze %dma_start3A_19 : memref<1x1x80x128xi32, #tpu.memory_space<hbm>> -> memref<80x128xi32, #tpu.memory_space<hbm>>
      tpu.enqueue_dma source(%dma_start3A_20 : memref<80x128xi32, #tpu.memory_space<hbm>>) target(%arg6 : memref<80x128xi32, #tpu.memory_space<vmem>>) target_semaphore(%run_scoped3A : memref<!tpu.dma_semaphore, #tpu.memory_space<semaphore_mem>>)
      %dma_wait3A_21 = arith.constant 0 : i32
      %dma_wait3A_22 = arith.constant 0 : i32
      %dma_wait3A_23 = tpu.memref_slice %arg2[%arg0, %arg1, %dma_wait3A_21, %dma_wait3A_22] : memref<2x16x80x128xi32, #tpu.memory_space<hbm>> -> memref<1x1x80x128xi32, #tpu.memory_space<hbm>>
      %dma_wait3A_24 = tpu.memref_squeeze %dma_wait3A_23 : memref<1x1x80x128xi32, #tpu.memory_space<hbm>> -> memref<80x128xi32, #tpu.memory_space<hbm>>
      %dma_wait3A_25 = arith.constant 0 : i32
      %dma_wait3A_26 = arith.constant 0 : i32
      %dma_wait3A_27 = tpu.memref_slice %arg2[%arg0, %arg1, %dma_wait3A_25, %dma_wait3A_26] : memref<2x16x80x128xi32, #tpu.memory_space<hbm>> -> memref<1x1x80x128xi32, #tpu.memory_space<hbm>>
      %dma_wait3A_28 = tpu.memref_squeeze %dma_wait3A_27 : memref<1x1x80x128xi32, #tpu.memory_space<hbm>> -> memref<80x128xi32, #tpu.memory_space<hbm>>
      tpu.wait_dma2 semaphore(%run_scoped3A : memref<!tpu.dma_semaphore, #tpu.memory_space<semaphore_mem>>) src(%dma_wait3A_28 : memref<80x128xi32, #tpu.memory_space<hbm>>) dst(%arg6 : memref<80x128xi32, #tpu.memory_space<vmem>>)
      tpu.yield
    }) : () -> ()
    "tpu.region"() ({
      %run_scoped3A = tpu.sem_alloc : memref<!tpu.dma_semaphore, #tpu.memory_space<semaphore_mem>>
      tpu.enqueue_dma source(%arg3 : memref<128x128xf32, #tpu.memory_space<hbm>>) target(%arg7 : memref<128x128xf32, #tpu.memory_space<vmem>>) target_semaphore(%run_scoped3A : memref<!tpu.dma_semaphore, #tpu.memory_space<semaphore_mem>>)
      tpu.wait_dma2 semaphore(%run_scoped3A : memref<!tpu.dma_semaphore, #tpu.memory_space<semaphore_mem>>) src(%arg3 : memref<128x128xf32, #tpu.memory_space<hbm>>) dst(%arg7 : memref<128x128xf32, #tpu.memory_space<vmem>>)
      tpu.yield
    }) : () -> ()
    %dma_wait3A = arith.constant 0 : i32
    %dma_wait3A_2 = tpu.memref_slice %arg8[%mul3A_0, %dma_wait3A] : memref<10240x128xf32, #tpu.memory_space<vmem_shared>> -> memref<640x128xf32, #tpu.memory_space<vmem_shared>>
    tpu.wait_dma2 semaphore(%arg9 : memref<!tpu.dma_semaphore, #tpu.memory_space<semaphore_mem>>) src(%arg4 : memref<640x128xf32, #tpu.memory_space<hbm>>) dst(%dma_wait3A_2 : memref<640x128xf32, #tpu.memory_space<vmem_shared>>)
    %barrier3A = arith.constant 0 : index
    tpu.barrier barrier_id(%barrier3A)
    %scan3A = arith.constant 0 : i32
    %scan3A_3 = arith.constant 0 : i32
    %scan3A_4 = arith.constant 80 : i32
    %scan3A_5 = arith.addi %scan3A_3, %scan3A_4 : i32
    %scan3A_6 = arith.constant 1 : i32
    scf.for %scan3A_13 = %scan3A_3 to %scan3A_5 step %scan3A_6  : i32 {
      "tpu.region"() ({
        %run_scoped3A = tpu.sem_alloc : memref<!tpu.dma_semaphore, #tpu.memory_space<semaphore_mem>>
        %dma_start3A_14 = arith.constant 0 : i32
        %dma_start3A_15 = tpu.memref_slice %arg6[%scan3A_13, %dma_start3A_14] : memref<80x128xi32, #tpu.memory_space<vmem>> -> memref<1x128xi32, #tpu.memory_space<vmem>>
        %dma_start3A_16 = tpu.memref_squeeze %dma_start3A_15 : memref<1x128xi32, #tpu.memory_space<vmem>> -> memref<128xi32, #tpu.memory_space<vmem>>
        %dma_start3A_17 = arith.constant 0 : i32
        %dma_start3A_18 = arith.constant 0 : i32
        %dma_start3A_19 = tpu.memref_slice %arg8[%dma_start3A_17, %dma_start3A_18] : memref<10240x128xf32, #tpu.memory_space<vmem_shared>> -> memref<10240x128xf32, #tpu.memory_space<vmem_shared>>
        tpu.enqueue_indirect_dma source(%arg7 : memref<128x128xf32, #tpu.memory_space<vmem>>) target(%dma_start3A_19 : memref<10240x128xf32, #tpu.memory_space<vmem_shared>>) offsets(%dma_start3A_16 : memref<128xi32, #tpu.memory_space<vmem>>) semaphore(%run_scoped3A : memref<!tpu.dma_semaphore, #tpu.memory_space<semaphore_mem>>) {add = true}
        %dma_wait3A_20 = arith.constant 0 : i32
        %dma_wait3A_21 = tpu.memref_slice %arg6[%scan3A_13, %dma_wait3A_20] : memref<80x128xi32, #tpu.memory_space<vmem>> -> memref<1x128xi32, #tpu.memory_space<vmem>>
        %dma_wait3A_22 = tpu.memref_squeeze %dma_wait3A_21 : memref<1x128xi32, #tpu.memory_space<vmem>> -> memref<128xi32, #tpu.memory_space<vmem>>
        %dma_wait3A_23 = arith.constant 0 : i32
        %dma_wait3A_24 = arith.constant 0 : i32
        %dma_wait3A_25 = tpu.memref_slice %arg8[%dma_wait3A_23, %dma_wait3A_24] : memref<10240x128xf32, #tpu.memory_space<vmem_shared>> -> memref<10240x128xf32, #tpu.memory_space<vmem_shared>>
        tpu.wait_indirect_dma semaphore(%run_scoped3A : memref<!tpu.dma_semaphore, #tpu.memory_space<semaphore_mem>>) src(%arg7 : memref<128x128xf32, #tpu.memory_space<vmem>>) dst(%dma_wait3A_25 : memref<10240x128xf32, #tpu.memory_space<vmem_shared>>)
        tpu.yield
      }) : () -> ()
    }
    %scan3A_7 = arith.constant 80 : i32
    %barrier3A_8 = arith.constant 0 : index
    tpu.barrier barrier_id(%barrier3A_8)
    %mul3A_9 = arith.constant 640 : i32
    %mul3A_10 = arith.muli %arg1, %mul3A_9 : i32
    %mul3A_11 = arith.constant 640 : i32
    %mul3A_12 = arith.muli %arg1, %mul3A_11 : i32
    "tpu.region"() ({
      %run_scoped3A = tpu.sem_alloc : memref<!tpu.dma_semaphore, #tpu.memory_space<semaphore_mem>>
      %dma_start3A_13 = arith.constant 0 : i32
      %dma_start3A_14 = arith.constant 0 : i32
      %dma_start3A_15 = tpu.memref_slice %arg5[%arg0, %dma_start3A_13, %dma_start3A_14] : memref<2x10240x128xf32, #tpu.memory_space<hbm>> -> memref<1x10240x128xf32, #tpu.memory_space<hbm>>
      %dma_start3A_16 = tpu.memref_squeeze %dma_start3A_15 : memref<1x10240x128xf32, #tpu.memory_space<hbm>> -> memref<10240x128xf32, #tpu.memory_space<hbm>>
      %dma_start3A_17 = arith.constant 0 : i32
      %dma_start3A_18 = tpu.memref_slice %dma_start3A_16[%mul3A_12, %dma_start3A_17] : memref<10240x128xf32, #tpu.memory_space<hbm>> -> memref<640x128xf32, #tpu.memory_space<hbm>>
      %dma_start3A_19 = arith.constant 0 : i32
      %dma_start3A_20 = tpu.memref_slice %arg8[%mul3A_10, %dma_start3A_19] : memref<10240x128xf32, #tpu.memory_space<vmem_shared>> -> memref<640x128xf32, #tpu.memory_space<vmem_shared>>
      tpu.enqueue_dma source(%dma_start3A_20 : memref<640x128xf32, #tpu.memory_space<vmem_shared>>) target(%dma_start3A_18 : memref<640x128xf32, #tpu.memory_space<hbm>>) target_semaphore(%run_scoped3A : memref<!tpu.dma_semaphore, #tpu.memory_space<semaphore_mem>>)
      %dma_wait3A_21 = arith.constant 0 : i32
      %dma_wait3A_22 = arith.constant 0 : i32
      %dma_wait3A_23 = tpu.memref_slice %arg5[%arg0, %dma_wait3A_21, %dma_wait3A_22] : memref<2x10240x128xf32, #tpu.memory_space<hbm>> -> memref<1x10240x128xf32, #tpu.memory_space<hbm>>
      %dma_wait3A_24 = tpu.memref_squeeze %dma_wait3A_23 : memref<1x10240x128xf32, #tpu.memory_space<hbm>> -> memref<10240x128xf32, #tpu.memory_space<hbm>>
      %dma_wait3A_25 = arith.constant 0 : i32
      %dma_wait3A_26 = tpu.memref_slice %dma_wait3A_24[%mul3A_12, %dma_wait3A_25] : memref<10240x128xf32, #tpu.memory_space<hbm>> -> memref<640x128xf32, #tpu.memory_space<hbm>>
      %dma_wait3A_27 = arith.constant 0 : i32
      %dma_wait3A_28 = tpu.memref_slice %arg8[%mul3A_10, %dma_wait3A_27] : memref<10240x128xf32, #tpu.memory_space<vmem_shared>> -> memref<640x128xf32, #tpu.memory_space<vmem_shared>>
      tpu.wait_dma2 semaphore(%run_scoped3A : memref<!tpu.dma_semaphore, #tpu.memory_space<semaphore_mem>>) src(%dma_wait3A_28 : memref<640x128xf32, #tpu.memory_space<vmem_shared>>) dst(%dma_wait3A_26 : memref<640x128xf32, #tpu.memory_space<hbm>>)
      tpu.yield
    }) : () -> ()
    return
  }
}

#map = affine_map<(d0, d1) -> (0, 0)>
#map1 = affine_map<(d0, d1) -> (0, 0, 0, 0)>
#map2 = affine_map<(d0, d1) -> (0, 0, 0)>
module attributes {stable_mosaic.version = 14 : i64} {
  func.func @_sc_propagate(%arg0: i32, %arg1: i32, %arg2: memref<10000x128xf32, #tpu.memory_space<hbm>>, %arg3: memref<2x16x80x128xi32, #tpu.memory_space<hbm>>, %arg4: memref<2x16x80x128xi32, #tpu.memory_space<hbm>>, %arg5: memref<640x128xf32, #tpu.memory_space<hbm>>, %arg6: memref<2x10240x128xf32, #tpu.memory_space<hbm>>, %arg7: memref<40x128xi32, #tpu.memory_space<vmem>>, %arg8: memref<40x128xi32, #tpu.memory_space<vmem>>, %arg9: memref<128x128xf32, #tpu.memory_space<vmem>>, %arg10: memref<128x128xf32, #tpu.memory_space<vmem>>, %arg11: memref<10240x128xf32, #tpu.memory_space<vmem_shared>>, %arg12: memref<!tpu.dma_semaphore, #tpu.memory_space<semaphore_mem>>, %arg13: memref<!tpu.dma_semaphore, #tpu.memory_space<semaphore_mem>>, %arg14: memref<!tpu.dma_semaphore, #tpu.memory_space<semaphore_mem>>) attributes {dimension_semantics = [#tpu.dimension_semantics<core_parallel>, #tpu.dimension_semantics<subcore_parallel>], iteration_bounds = array<i64: 2, 16>, scalar_prefetch = 0 : i64, scratch_operands = 8 : i64, tpu.core_type = #tpu.core_type<sc_vector_subcore>, window_params = [{transform_indices = #map}, {transform_indices = #map1}, {transform_indices = #map1}, {transform_indices = #map}, {transform_indices = #map2}]} {
    %mul3A = arith.constant 640 : i32
    %mul3A_0 = arith.muli %arg1, %mul3A : i32
    %dma_start3A = arith.constant 0 : i32
    %dma_start3A_1 = tpu.memref_slice %arg11[%mul3A_0, %dma_start3A] : memref<10240x128xf32, #tpu.memory_space<vmem_shared>> -> memref<640x128xf32, #tpu.memory_space<vmem_shared>>
    tpu.enqueue_dma source(%arg5 : memref<640x128xf32, #tpu.memory_space<hbm>>) target(%dma_start3A_1 : memref<640x128xf32, #tpu.memory_space<vmem_shared>>) target_semaphore(%arg14 : memref<!tpu.dma_semaphore, #tpu.memory_space<semaphore_mem>>)
    "tpu.region"() ({
      %run_scoped3A = tpu.sem_alloc : memref<!tpu.dma_semaphore, #tpu.memory_space<semaphore_mem>>
      %dma_start3A_33 = arith.constant 0 : i32
      %dma_start3A_34 = arith.constant 0 : i32
      %dma_start3A_35 = tpu.memref_slice %arg3[%arg0, %arg1, %dma_start3A_33, %dma_start3A_34] : memref<2x16x80x128xi32, #tpu.memory_space<hbm>> -> memref<1x1x80x128xi32, #tpu.memory_space<hbm>>
      %dma_start3A_36 = tpu.memref_squeeze %dma_start3A_35 : memref<1x1x80x128xi32, #tpu.memory_space<hbm>> -> memref<80x128xi32, #tpu.memory_space<hbm>>
      %dma_start3A_37 = arith.constant 0 : i32
      %dma_start3A_38 = arith.constant 0 : i32
      %dma_start3A_39 = tpu.memref_slice %dma_start3A_36[%dma_start3A_37, %dma_start3A_38] : memref<80x128xi32, #tpu.memory_space<hbm>> -> memref<40x128xi32, #tpu.memory_space<hbm>>
      %dma_start3A_40 = arith.constant 0 : i32
      %dma_start3A_41 = arith.constant 0 : i32
      %dma_start3A_42 = tpu.memref_slice %arg3[%arg0, %arg1, %dma_start3A_40, %dma_start3A_41] : memref<2x16x80x128xi32, #tpu.memory_space<hbm>> -> memref<1x1x80x128xi32, #tpu.memory_space<hbm>>
      %dma_start3A_43 = tpu.memref_squeeze %dma_start3A_42 : memref<1x1x80x128xi32, #tpu.memory_space<hbm>> -> memref<80x128xi32, #tpu.memory_space<hbm>>
      %dma_start3A_44 = arith.constant 0 : i32
      %dma_start3A_45 = arith.constant 0 : i32
      %dma_start3A_46 = tpu.memref_slice %dma_start3A_43[%dma_start3A_44, %dma_start3A_45] : memref<80x128xi32, #tpu.memory_space<hbm>> -> memref<40x128xi32, #tpu.memory_space<hbm>>
      tpu.enqueue_dma source(%dma_start3A_46 : memref<40x128xi32, #tpu.memory_space<hbm>>) target(%arg7 : memref<40x128xi32, #tpu.memory_space<vmem>>) target_semaphore(%run_scoped3A : memref<!tpu.dma_semaphore, #tpu.memory_space<semaphore_mem>>)
      %dma_wait3A_47 = arith.constant 0 : i32
      %dma_wait3A_48 = arith.constant 0 : i32
      %dma_wait3A_49 = tpu.memref_slice %arg3[%arg0, %arg1, %dma_wait3A_47, %dma_wait3A_48] : memref<2x16x80x128xi32, #tpu.memory_space<hbm>> -> memref<1x1x80x128xi32, #tpu.memory_space<hbm>>
      %dma_wait3A_50 = tpu.memref_squeeze %dma_wait3A_49 : memref<1x1x80x128xi32, #tpu.memory_space<hbm>> -> memref<80x128xi32, #tpu.memory_space<hbm>>
      %dma_wait3A_51 = arith.constant 0 : i32
      %dma_wait3A_52 = arith.constant 0 : i32
      %dma_wait3A_53 = tpu.memref_slice %dma_wait3A_50[%dma_wait3A_51, %dma_wait3A_52] : memref<80x128xi32, #tpu.memory_space<hbm>> -> memref<40x128xi32, #tpu.memory_space<hbm>>
      %dma_wait3A_54 = arith.constant 0 : i32
      %dma_wait3A_55 = arith.constant 0 : i32
      %dma_wait3A_56 = tpu.memref_slice %arg3[%arg0, %arg1, %dma_wait3A_54, %dma_wait3A_55] : memref<2x16x80x128xi32, #tpu.memory_space<hbm>> -> memref<1x1x80x128xi32, #tpu.memory_space<hbm>>
      %dma_wait3A_57 = tpu.memref_squeeze %dma_wait3A_56 : memref<1x1x80x128xi32, #tpu.memory_space<hbm>> -> memref<80x128xi32, #tpu.memory_space<hbm>>
      %dma_wait3A_58 = arith.constant 0 : i32
      %dma_wait3A_59 = arith.constant 0 : i32
      %dma_wait3A_60 = tpu.memref_slice %dma_wait3A_57[%dma_wait3A_58, %dma_wait3A_59] : memref<80x128xi32, #tpu.memory_space<hbm>> -> memref<40x128xi32, #tpu.memory_space<hbm>>
      tpu.wait_dma2 semaphore(%run_scoped3A : memref<!tpu.dma_semaphore, #tpu.memory_space<semaphore_mem>>) src(%dma_wait3A_60 : memref<40x128xi32, #tpu.memory_space<hbm>>) dst(%arg7 : memref<40x128xi32, #tpu.memory_space<vmem>>)
      tpu.yield
    }) : () -> ()
    %dma_start3A_2 = arith.constant 0 : i32
    %dma_start3A_3 = arith.constant 0 : i32
    %dma_start3A_4 = tpu.memref_slice %arg7[%dma_start3A_2, %dma_start3A_3] : memref<40x128xi32, #tpu.memory_space<vmem>> -> memref<1x128xi32, #tpu.memory_space<vmem>>
    %dma_start3A_5 = tpu.memref_squeeze %dma_start3A_4 : memref<1x128xi32, #tpu.memory_space<vmem>> -> memref<128xi32, #tpu.memory_space<vmem>>
    %dma_start3A_6 = arith.constant 0 : i32
    %dma_start3A_7 = arith.constant 0 : i32
    %dma_start3A_8 = tpu.memref_slice %arg2[%dma_start3A_6, %dma_start3A_7] : memref<10000x128xf32, #tpu.memory_space<hbm>> -> memref<10000x128xf32, #tpu.memory_space<hbm>>
    tpu.enqueue_indirect_dma source(%dma_start3A_8 : memref<10000x128xf32, #tpu.memory_space<hbm>>) target(%arg9 : memref<128x128xf32, #tpu.memory_space<vmem>>) offsets(%dma_start3A_5 : memref<128xi32, #tpu.memory_space<vmem>>) semaphore(%arg12 : memref<!tpu.dma_semaphore, #tpu.memory_space<semaphore_mem>>)
    "tpu.region"() ({
      %run_scoped3A = tpu.sem_alloc : memref<!tpu.dma_semaphore, #tpu.memory_space<semaphore_mem>>
      %dma_start3A_33 = arith.constant 0 : i32
      %dma_start3A_34 = arith.constant 0 : i32
      %dma_start3A_35 = tpu.memref_slice %arg4[%arg0, %arg1, %dma_start3A_33, %dma_start3A_34] : memref<2x16x80x128xi32, #tpu.memory_space<hbm>> -> memref<1x1x80x128xi32, #tpu.memory_space<hbm>>
      %dma_start3A_36 = tpu.memref_squeeze %dma_start3A_35 : memref<1x1x80x128xi32, #tpu.memory_space<hbm>> -> memref<80x128xi32, #tpu.memory_space<hbm>>
      %dma_start3A_37 = arith.constant 0 : i32
      %dma_start3A_38 = arith.constant 0 : i32
      %dma_start3A_39 = tpu.memref_slice %dma_start3A_36[%dma_start3A_37, %dma_start3A_38] : memref<80x128xi32, #tpu.memory_space<hbm>> -> memref<40x128xi32, #tpu.memory_space<hbm>>
      %dma_start3A_40 = arith.constant 0 : i32
      %dma_start3A_41 = arith.constant 0 : i32
      %dma_start3A_42 = tpu.memref_slice %arg4[%arg0, %arg1, %dma_start3A_40, %dma_start3A_41] : memref<2x16x80x128xi32, #tpu.memory_space<hbm>> -> memref<1x1x80x128xi32, #tpu.memory_space<hbm>>
      %dma_start3A_43 = tpu.memref_squeeze %dma_start3A_42 : memref<1x1x80x128xi32, #tpu.memory_space<hbm>> -> memref<80x128xi32, #tpu.memory_space<hbm>>
      %dma_start3A_44 = arith.constant 0 : i32
      %dma_start3A_45 = arith.constant 0 : i32
      %dma_start3A_46 = tpu.memref_slice %dma_start3A_43[%dma_start3A_44, %dma_start3A_45] : memref<80x128xi32, #tpu.memory_space<hbm>> -> memref<40x128xi32, #tpu.memory_space<hbm>>
      tpu.enqueue_dma source(%dma_start3A_46 : memref<40x128xi32, #tpu.memory_space<hbm>>) target(%arg8 : memref<40x128xi32, #tpu.memory_space<vmem>>) target_semaphore(%run_scoped3A : memref<!tpu.dma_semaphore, #tpu.memory_space<semaphore_mem>>)
      %dma_wait3A_47 = arith.constant 0 : i32
      %dma_wait3A_48 = arith.constant 0 : i32
      %dma_wait3A_49 = tpu.memref_slice %arg4[%arg0, %arg1, %dma_wait3A_47, %dma_wait3A_48] : memref<2x16x80x128xi32, #tpu.memory_space<hbm>> -> memref<1x1x80x128xi32, #tpu.memory_space<hbm>>
      %dma_wait3A_50 = tpu.memref_squeeze %dma_wait3A_49 : memref<1x1x80x128xi32, #tpu.memory_space<hbm>> -> memref<80x128xi32, #tpu.memory_space<hbm>>
      %dma_wait3A_51 = arith.constant 0 : i32
      %dma_wait3A_52 = arith.constant 0 : i32
      %dma_wait3A_53 = tpu.memref_slice %dma_wait3A_50[%dma_wait3A_51, %dma_wait3A_52] : memref<80x128xi32, #tpu.memory_space<hbm>> -> memref<40x128xi32, #tpu.memory_space<hbm>>
      %dma_wait3A_54 = arith.constant 0 : i32
      %dma_wait3A_55 = arith.constant 0 : i32
      %dma_wait3A_56 = tpu.memref_slice %arg4[%arg0, %arg1, %dma_wait3A_54, %dma_wait3A_55] : memref<2x16x80x128xi32, #tpu.memory_space<hbm>> -> memref<1x1x80x128xi32, #tpu.memory_space<hbm>>
      %dma_wait3A_57 = tpu.memref_squeeze %dma_wait3A_56 : memref<1x1x80x128xi32, #tpu.memory_space<hbm>> -> memref<80x128xi32, #tpu.memory_space<hbm>>
      %dma_wait3A_58 = arith.constant 0 : i32
      %dma_wait3A_59 = arith.constant 0 : i32
      %dma_wait3A_60 = tpu.memref_slice %dma_wait3A_57[%dma_wait3A_58, %dma_wait3A_59] : memref<80x128xi32, #tpu.memory_space<hbm>> -> memref<40x128xi32, #tpu.memory_space<hbm>>
      tpu.wait_dma2 semaphore(%run_scoped3A : memref<!tpu.dma_semaphore, #tpu.memory_space<semaphore_mem>>) src(%dma_wait3A_60 : memref<40x128xi32, #tpu.memory_space<hbm>>) dst(%arg8 : memref<40x128xi32, #tpu.memory_space<vmem>>)
      tpu.yield
    }) : () -> ()
    %dma_wait3A = arith.constant 0 : i32
    %dma_wait3A_9 = tpu.memref_slice %arg11[%mul3A_0, %dma_wait3A] : memref<10240x128xf32, #tpu.memory_space<vmem_shared>> -> memref<640x128xf32, #tpu.memory_space<vmem_shared>>
    tpu.wait_dma2 semaphore(%arg14 : memref<!tpu.dma_semaphore, #tpu.memory_space<semaphore_mem>>) src(%arg5 : memref<640x128xf32, #tpu.memory_space<hbm>>) dst(%dma_wait3A_9 : memref<640x128xf32, #tpu.memory_space<vmem_shared>>)
    %barrier3A = arith.constant 0 : index
    tpu.barrier barrier_id(%barrier3A)
    %scan3A = arith.constant 0 : i32
    %scan3A_10 = arith.constant 0 : i32
    %scan3A_11 = arith.constant 20 : i32
    %scan3A_12 = arith.addi %scan3A_10, %scan3A_11 : i32
    %scan3A_13 = arith.constant 1 : i32
    scf.for %scan3A_33 = %scan3A_10 to %scan3A_12 step %scan3A_13  : i32 {
      %mul3A_34 = arith.constant 2 : i32
      %mul3A_35 = arith.muli %mul3A_34, %scan3A_33 : i32
      %add3A = arith.constant 1 : i32
      %add3A_36 = arith.addi %mul3A_35, %add3A : i32
      %dma_start3A_37 = arith.constant 0 : i32
      %dma_start3A_38 = tpu.memref_slice %arg7[%add3A_36, %dma_start3A_37] : memref<40x128xi32, #tpu.memory_space<vmem>> -> memref<1x128xi32, #tpu.memory_space<vmem>>
      %dma_start3A_39 = tpu.memref_squeeze %dma_start3A_38 : memref<1x128xi32, #tpu.memory_space<vmem>> -> memref<128xi32, #tpu.memory_space<vmem>>
      %dma_start3A_40 = arith.constant 0 : i32
      %dma_start3A_41 = arith.constant 0 : i32
      %dma_start3A_42 = tpu.memref_slice %arg2[%dma_start3A_40, %dma_start3A_41] : memref<10000x128xf32, #tpu.memory_space<hbm>> -> memref<10000x128xf32, #tpu.memory_space<hbm>>
      tpu.enqueue_indirect_dma source(%dma_start3A_42 : memref<10000x128xf32, #tpu.memory_space<hbm>>) target(%arg10 : memref<128x128xf32, #tpu.memory_space<vmem>>) offsets(%dma_start3A_39 : memref<128xi32, #tpu.memory_space<vmem>>) semaphore(%arg13 : memref<!tpu.dma_semaphore, #tpu.memory_space<semaphore_mem>>)
      %dma_wait3A_43 = arith.constant 0 : i32
      %dma_wait3A_44 = tpu.memref_slice %arg7[%mul3A_35, %dma_wait3A_43] : memref<40x128xi32, #tpu.memory_space<vmem>> -> memref<1x128xi32, #tpu.memory_space<vmem>>
      %dma_wait3A_45 = tpu.memref_squeeze %dma_wait3A_44 : memref<1x128xi32, #tpu.memory_space<vmem>> -> memref<128xi32, #tpu.memory_space<vmem>>
      %dma_wait3A_46 = arith.constant 0 : i32
      %dma_wait3A_47 = arith.constant 0 : i32
      %dma_wait3A_48 = tpu.memref_slice %arg2[%dma_wait3A_46, %dma_wait3A_47] : memref<10000x128xf32, #tpu.memory_space<hbm>> -> memref<10000x128xf32, #tpu.memory_space<hbm>>
      tpu.wait_indirect_dma semaphore(%arg12 : memref<!tpu.dma_semaphore, #tpu.memory_space<semaphore_mem>>) src(%dma_wait3A_48 : memref<10000x128xf32, #tpu.memory_space<hbm>>) dst(%arg9 : memref<128x128xf32, #tpu.memory_space<vmem>>)
      "tpu.region"() ({
        %run_scoped3A = tpu.sem_alloc : memref<!tpu.dma_semaphore, #tpu.memory_space<semaphore_mem>>
        %dma_start3A_61 = arith.constant 0 : i32
        %dma_start3A_62 = tpu.memref_slice %arg8[%mul3A_35, %dma_start3A_61] : memref<40x128xi32, #tpu.memory_space<vmem>> -> memref<1x128xi32, #tpu.memory_space<vmem>>
        %dma_start3A_63 = tpu.memref_squeeze %dma_start3A_62 : memref<1x128xi32, #tpu.memory_space<vmem>> -> memref<128xi32, #tpu.memory_space<vmem>>
        %dma_start3A_64 = arith.constant 0 : i32
        %dma_start3A_65 = arith.constant 0 : i32
        %dma_start3A_66 = tpu.memref_slice %arg11[%dma_start3A_64, %dma_start3A_65] : memref<10240x128xf32, #tpu.memory_space<vmem_shared>> -> memref<10240x128xf32, #tpu.memory_space<vmem_shared>>
        tpu.enqueue_indirect_dma source(%arg9 : memref<128x128xf32, #tpu.memory_space<vmem>>) target(%dma_start3A_66 : memref<10240x128xf32, #tpu.memory_space<vmem_shared>>) offsets(%dma_start3A_63 : memref<128xi32, #tpu.memory_space<vmem>>) semaphore(%run_scoped3A : memref<!tpu.dma_semaphore, #tpu.memory_space<semaphore_mem>>) {add = true}
        %dma_wait3A_67 = arith.constant 0 : i32
        %dma_wait3A_68 = tpu.memref_slice %arg8[%mul3A_35, %dma_wait3A_67] : memref<40x128xi32, #tpu.memory_space<vmem>> -> memref<1x128xi32, #tpu.memory_space<vmem>>
        %dma_wait3A_69 = tpu.memref_squeeze %dma_wait3A_68 : memref<1x128xi32, #tpu.memory_space<vmem>> -> memref<128xi32, #tpu.memory_space<vmem>>
        %dma_wait3A_70 = arith.constant 0 : i32
        %dma_wait3A_71 = arith.constant 0 : i32
        %dma_wait3A_72 = tpu.memref_slice %arg11[%dma_wait3A_70, %dma_wait3A_71] : memref<10240x128xf32, #tpu.memory_space<vmem_shared>> -> memref<10240x128xf32, #tpu.memory_space<vmem_shared>>
        tpu.wait_indirect_dma semaphore(%run_scoped3A : memref<!tpu.dma_semaphore, #tpu.memory_space<semaphore_mem>>) src(%arg9 : memref<128x128xf32, #tpu.memory_space<vmem>>) dst(%dma_wait3A_72 : memref<10240x128xf32, #tpu.memory_space<vmem_shared>>)
        tpu.yield
      }) : () -> ()
      %lt3A = arith.constant 19 : i32
      %lt3A_49 = arith.cmpi slt, %scan3A_33, %lt3A : i32
      %convert_element_type3A = arith.extui %lt3A_49 : i1 to i32
      %cond3A = arith.constant 0 : i32
      %cond3A_50 = arith.cmpi ne, %convert_element_type3A, %cond3A : i32
      scf.if %cond3A_50 {
        %add3A_61 = arith.constant 2 : i32
        %add3A_62 = arith.addi %mul3A_35, %add3A_61 : i32
        %dma_start3A_63 = arith.constant 0 : i32
        %dma_start3A_64 = tpu.memref_slice %arg7[%add3A_62, %dma_start3A_63] : memref<40x128xi32, #tpu.memory_space<vmem>> -> memref<1x128xi32, #tpu.memory_space<vmem>>
        %dma_start3A_65 = tpu.memref_squeeze %dma_start3A_64 : memref<1x128xi32, #tpu.memory_space<vmem>> -> memref<128xi32, #tpu.memory_space<vmem>>
        %dma_start3A_66 = arith.constant 0 : i32
        %dma_start3A_67 = arith.constant 0 : i32
        %dma_start3A_68 = tpu.memref_slice %arg2[%dma_start3A_66, %dma_start3A_67] : memref<10000x128xf32, #tpu.memory_space<hbm>> -> memref<10000x128xf32, #tpu.memory_space<hbm>>
        tpu.enqueue_indirect_dma source(%dma_start3A_68 : memref<10000x128xf32, #tpu.memory_space<hbm>>) target(%arg9 : memref<128x128xf32, #tpu.memory_space<vmem>>) offsets(%dma_start3A_65 : memref<128xi32, #tpu.memory_space<vmem>>) semaphore(%arg12 : memref<!tpu.dma_semaphore, #tpu.memory_space<semaphore_mem>>)
      } else {
      }
      %add3A_51 = arith.constant 1 : i32
      %add3A_52 = arith.addi %mul3A_35, %add3A_51 : i32
      %dma_wait3A_53 = arith.constant 0 : i32
      %dma_wait3A_54 = tpu.memref_slice %arg7[%add3A_52, %dma_wait3A_53] : memref<40x128xi32, #tpu.memory_space<vmem>> -> memref<1x128xi32, #tpu.memory_space<vmem>>
      %dma_wait3A_55 = tpu.memref_squeeze %dma_wait3A_54 : memref<1x128xi32, #tpu.memory_space<vmem>> -> memref<128xi32, #tpu.memory_space<vmem>>
      %dma_wait3A_56 = arith.constant 0 : i32
      %dma_wait3A_57 = arith.constant 0 : i32
      %dma_wait3A_58 = tpu.memref_slice %arg2[%dma_wait3A_56, %dma_wait3A_57] : memref<10000x128xf32, #tpu.memory_space<hbm>> -> memref<10000x128xf32, #tpu.memory_space<hbm>>
      tpu.wait_indirect_dma semaphore(%arg13 : memref<!tpu.dma_semaphore, #tpu.memory_space<semaphore_mem>>) src(%dma_wait3A_58 : memref<10000x128xf32, #tpu.memory_space<hbm>>) dst(%arg10 : memref<128x128xf32, #tpu.memory_space<vmem>>)
      %add3A_59 = arith.constant 1 : i32
      %add3A_60 = arith.addi %mul3A_35, %add3A_59 : i32
      "tpu.region"() ({
        %run_scoped3A = tpu.sem_alloc : memref<!tpu.dma_semaphore, #tpu.memory_space<semaphore_mem>>
        %dma_start3A_61 = arith.constant 0 : i32
        %dma_start3A_62 = tpu.memref_slice %arg8[%add3A_60, %dma_start3A_61] : memref<40x128xi32, #tpu.memory_space<vmem>> -> memref<1x128xi32, #tpu.memory_space<vmem>>
        %dma_start3A_63 = tpu.memref_squeeze %dma_start3A_62 : memref<1x128xi32, #tpu.memory_space<vmem>> -> memref<128xi32, #tpu.memory_space<vmem>>
        %dma_start3A_64 = arith.constant 0 : i32
        %dma_start3A_65 = arith.constant 0 : i32
        %dma_start3A_66 = tpu.memref_slice %arg11[%dma_start3A_64, %dma_start3A_65] : memref<10240x128xf32, #tpu.memory_space<vmem_shared>> -> memref<10240x128xf32, #tpu.memory_space<vmem_shared>>
        tpu.enqueue_indirect_dma source(%arg10 : memref<128x128xf32, #tpu.memory_space<vmem>>) target(%dma_start3A_66 : memref<10240x128xf32, #tpu.memory_space<vmem_shared>>) offsets(%dma_start3A_63 : memref<128xi32, #tpu.memory_space<vmem>>) semaphore(%run_scoped3A : memref<!tpu.dma_semaphore, #tpu.memory_space<semaphore_mem>>) {add = true}
        %dma_wait3A_67 = arith.constant 0 : i32
        %dma_wait3A_68 = tpu.memref_slice %arg8[%add3A_60, %dma_wait3A_67] : memref<40x128xi32, #tpu.memory_space<vmem>> -> memref<1x128xi32, #tpu.memory_space<vmem>>
        %dma_wait3A_69 = tpu.memref_squeeze %dma_wait3A_68 : memref<1x128xi32, #tpu.memory_space<vmem>> -> memref<128xi32, #tpu.memory_space<vmem>>
        %dma_wait3A_70 = arith.constant 0 : i32
        %dma_wait3A_71 = arith.constant 0 : i32
        %dma_wait3A_72 = tpu.memref_slice %arg11[%dma_wait3A_70, %dma_wait3A_71] : memref<10240x128xf32, #tpu.memory_space<vmem_shared>> -> memref<10240x128xf32, #tpu.memory_space<vmem_shared>>
        tpu.wait_indirect_dma semaphore(%run_scoped3A : memref<!tpu.dma_semaphore, #tpu.memory_space<semaphore_mem>>) src(%arg10 : memref<128x128xf32, #tpu.memory_space<vmem>>) dst(%dma_wait3A_72 : memref<10240x128xf32, #tpu.memory_space<vmem_shared>>)
        tpu.yield
      }) : () -> ()
    }
    %scan3A_14 = arith.constant 20 : i32
    "tpu.region"() ({
      %run_scoped3A = tpu.sem_alloc : memref<!tpu.dma_semaphore, #tpu.memory_space<semaphore_mem>>
      %dma_start3A_33 = arith.constant 0 : i32
      %dma_start3A_34 = arith.constant 0 : i32
      %dma_start3A_35 = tpu.memref_slice %arg3[%arg0, %arg1, %dma_start3A_33, %dma_start3A_34] : memref<2x16x80x128xi32, #tpu.memory_space<hbm>> -> memref<1x1x80x128xi32, #tpu.memory_space<hbm>>
      %dma_start3A_36 = tpu.memref_squeeze %dma_start3A_35 : memref<1x1x80x128xi32, #tpu.memory_space<hbm>> -> memref<80x128xi32, #tpu.memory_space<hbm>>
      %dma_start3A_37 = arith.constant 40 : i32
      %dma_start3A_38 = arith.constant 0 : i32
      %dma_start3A_39 = tpu.memref_slice %dma_start3A_36[%dma_start3A_37, %dma_start3A_38] : memref<80x128xi32, #tpu.memory_space<hbm>> -> memref<40x128xi32, #tpu.memory_space<hbm>>
      %dma_start3A_40 = arith.constant 0 : i32
      %dma_start3A_41 = arith.constant 0 : i32
      %dma_start3A_42 = tpu.memref_slice %arg3[%arg0, %arg1, %dma_start3A_40, %dma_start3A_41] : memref<2x16x80x128xi32, #tpu.memory_space<hbm>> -> memref<1x1x80x128xi32, #tpu.memory_space<hbm>>
      %dma_start3A_43 = tpu.memref_squeeze %dma_start3A_42 : memref<1x1x80x128xi32, #tpu.memory_space<hbm>> -> memref<80x128xi32, #tpu.memory_space<hbm>>
      %dma_start3A_44 = arith.constant 40 : i32
      %dma_start3A_45 = arith.constant 0 : i32
      %dma_start3A_46 = tpu.memref_slice %dma_start3A_43[%dma_start3A_44, %dma_start3A_45] : memref<80x128xi32, #tpu.memory_space<hbm>> -> memref<40x128xi32, #tpu.memory_space<hbm>>
      tpu.enqueue_dma source(%dma_start3A_46 : memref<40x128xi32, #tpu.memory_space<hbm>>) target(%arg7 : memref<40x128xi32, #tpu.memory_space<vmem>>) target_semaphore(%run_scoped3A : memref<!tpu.dma_semaphore, #tpu.memory_space<semaphore_mem>>)
      %dma_wait3A_47 = arith.constant 0 : i32
      %dma_wait3A_48 = arith.constant 0 : i32
      %dma_wait3A_49 = tpu.memref_slice %arg3[%arg0, %arg1, %dma_wait3A_47, %dma_wait3A_48] : memref<2x16x80x128xi32, #tpu.memory_space<hbm>> -> memref<1x1x80x128xi32, #tpu.memory_space<hbm>>
      %dma_wait3A_50 = tpu.memref_squeeze %dma_wait3A_49 : memref<1x1x80x128xi32, #tpu.memory_space<hbm>> -> memref<80x128xi32, #tpu.memory_space<hbm>>
      %dma_wait3A_51 = arith.constant 40 : i32
      %dma_wait3A_52 = arith.constant 0 : i32
      %dma_wait3A_53 = tpu.memref_slice %dma_wait3A_50[%dma_wait3A_51, %dma_wait3A_52] : memref<80x128xi32, #tpu.memory_space<hbm>> -> memref<40x128xi32, #tpu.memory_space<hbm>>
      %dma_wait3A_54 = arith.constant 0 : i32
      %dma_wait3A_55 = arith.constant 0 : i32
      %dma_wait3A_56 = tpu.memref_slice %arg3[%arg0, %arg1, %dma_wait3A_54, %dma_wait3A_55] : memref<2x16x80x128xi32, #tpu.memory_space<hbm>> -> memref<1x1x80x128xi32, #tpu.memory_space<hbm>>
      %dma_wait3A_57 = tpu.memref_squeeze %dma_wait3A_56 : memref<1x1x80x128xi32, #tpu.memory_space<hbm>> -> memref<80x128xi32, #tpu.memory_space<hbm>>
      %dma_wait3A_58 = arith.constant 40 : i32
      %dma_wait3A_59 = arith.constant 0 : i32
      %dma_wait3A_60 = tpu.memref_slice %dma_wait3A_57[%dma_wait3A_58, %dma_wait3A_59] : memref<80x128xi32, #tpu.memory_space<hbm>> -> memref<40x128xi32, #tpu.memory_space<hbm>>
      tpu.wait_dma2 semaphore(%run_scoped3A : memref<!tpu.dma_semaphore, #tpu.memory_space<semaphore_mem>>) src(%dma_wait3A_60 : memref<40x128xi32, #tpu.memory_space<hbm>>) dst(%arg7 : memref<40x128xi32, #tpu.memory_space<vmem>>)
      tpu.yield
    }) : () -> ()
    %dma_start3A_15 = arith.constant 0 : i32
    %dma_start3A_16 = arith.constant 0 : i32
    %dma_start3A_17 = tpu.memref_slice %arg7[%dma_start3A_15, %dma_start3A_16] : memref<40x128xi32, #tpu.memory_space<vmem>> -> memref<1x128xi32, #tpu.memory_space<vmem>>
    %dma_start3A_18 = tpu.memref_squeeze %dma_start3A_17 : memref<1x128xi32, #tpu.memory_space<vmem>> -> memref<128xi32, #tpu.memory_space<vmem>>
    %dma_start3A_19 = arith.constant 0 : i32
    %dma_start3A_20 = arith.constant 0 : i32
    %dma_start3A_21 = tpu.memref_slice %arg2[%dma_start3A_19, %dma_start3A_20] : memref<10000x128xf32, #tpu.memory_space<hbm>> -> memref<10000x128xf32, #tpu.memory_space<hbm>>
    tpu.enqueue_indirect_dma source(%dma_start3A_21 : memref<10000x128xf32, #tpu.memory_space<hbm>>) target(%arg9 : memref<128x128xf32, #tpu.memory_space<vmem>>) offsets(%dma_start3A_18 : memref<128xi32, #tpu.memory_space<vmem>>) semaphore(%arg12 : memref<!tpu.dma_semaphore, #tpu.memory_space<semaphore_mem>>)
    "tpu.region"() ({
      %run_scoped3A = tpu.sem_alloc : memref<!tpu.dma_semaphore, #tpu.memory_space<semaphore_mem>>
      %dma_start3A_33 = arith.constant 0 : i32
      %dma_start3A_34 = arith.constant 0 : i32
      %dma_start3A_35 = tpu.memref_slice %arg4[%arg0, %arg1, %dma_start3A_33, %dma_start3A_34] : memref<2x16x80x128xi32, #tpu.memory_space<hbm>> -> memref<1x1x80x128xi32, #tpu.memory_space<hbm>>
      %dma_start3A_36 = tpu.memref_squeeze %dma_start3A_35 : memref<1x1x80x128xi32, #tpu.memory_space<hbm>> -> memref<80x128xi32, #tpu.memory_space<hbm>>
      %dma_start3A_37 = arith.constant 40 : i32
      %dma_start3A_38 = arith.constant 0 : i32
      %dma_start3A_39 = tpu.memref_slice %dma_start3A_36[%dma_start3A_37, %dma_start3A_38] : memref<80x128xi32, #tpu.memory_space<hbm>> -> memref<40x128xi32, #tpu.memory_space<hbm>>
      %dma_start3A_40 = arith.constant 0 : i32
      %dma_start3A_41 = arith.constant 0 : i32
      %dma_start3A_42 = tpu.memref_slice %arg4[%arg0, %arg1, %dma_start3A_40, %dma_start3A_41] : memref<2x16x80x128xi32, #tpu.memory_space<hbm>> -> memref<1x1x80x128xi32, #tpu.memory_space<hbm>>
      %dma_start3A_43 = tpu.memref_squeeze %dma_start3A_42 : memref<1x1x80x128xi32, #tpu.memory_space<hbm>> -> memref<80x128xi32, #tpu.memory_space<hbm>>
      %dma_start3A_44 = arith.constant 40 : i32
      %dma_start3A_45 = arith.constant 0 : i32
      %dma_start3A_46 = tpu.memref_slice %dma_start3A_43[%dma_start3A_44, %dma_start3A_45] : memref<80x128xi32, #tpu.memory_space<hbm>> -> memref<40x128xi32, #tpu.memory_space<hbm>>
      tpu.enqueue_dma source(%dma_start3A_46 : memref<40x128xi32, #tpu.memory_space<hbm>>) target(%arg8 : memref<40x128xi32, #tpu.memory_space<vmem>>) target_semaphore(%run_scoped3A : memref<!tpu.dma_semaphore, #tpu.memory_space<semaphore_mem>>)
      %dma_wait3A_47 = arith.constant 0 : i32
      %dma_wait3A_48 = arith.constant 0 : i32
      %dma_wait3A_49 = tpu.memref_slice %arg4[%arg0, %arg1, %dma_wait3A_47, %dma_wait3A_48] : memref<2x16x80x128xi32, #tpu.memory_space<hbm>> -> memref<1x1x80x128xi32, #tpu.memory_space<hbm>>
      %dma_wait3A_50 = tpu.memref_squeeze %dma_wait3A_49 : memref<1x1x80x128xi32, #tpu.memory_space<hbm>> -> memref<80x128xi32, #tpu.memory_space<hbm>>
      %dma_wait3A_51 = arith.constant 40 : i32
      %dma_wait3A_52 = arith.constant 0 : i32
      %dma_wait3A_53 = tpu.memref_slice %dma_wait3A_50[%dma_wait3A_51, %dma_wait3A_52] : memref<80x128xi32, #tpu.memory_space<hbm>> -> memref<40x128xi32, #tpu.memory_space<hbm>>
      %dma_wait3A_54 = arith.constant 0 : i32
      %dma_wait3A_55 = arith.constant 0 : i32
      %dma_wait3A_56 = tpu.memref_slice %arg4[%arg0, %arg1, %dma_wait3A_54, %dma_wait3A_55] : memref<2x16x80x128xi32, #tpu.memory_space<hbm>> -> memref<1x1x80x128xi32, #tpu.memory_space<hbm>>
      %dma_wait3A_57 = tpu.memref_squeeze %dma_wait3A_56 : memref<1x1x80x128xi32, #tpu.memory_space<hbm>> -> memref<80x128xi32, #tpu.memory_space<hbm>>
      %dma_wait3A_58 = arith.constant 40 : i32
      %dma_wait3A_59 = arith.constant 0 : i32
      %dma_wait3A_60 = tpu.memref_slice %dma_wait3A_57[%dma_wait3A_58, %dma_wait3A_59] : memref<80x128xi32, #tpu.memory_space<hbm>> -> memref<40x128xi32, #tpu.memory_space<hbm>>
      tpu.wait_dma2 semaphore(%run_scoped3A : memref<!tpu.dma_semaphore, #tpu.memory_space<semaphore_mem>>) src(%dma_wait3A_60 : memref<40x128xi32, #tpu.memory_space<hbm>>) dst(%arg8 : memref<40x128xi32, #tpu.memory_space<vmem>>)
      tpu.yield
    }) : () -> ()
    %scan3A_22 = arith.constant 0 : i32
    %scan3A_23 = arith.constant 0 : i32
    %scan3A_24 = arith.constant 20 : i32
    %scan3A_25 = arith.addi %scan3A_23, %scan3A_24 : i32
    %scan3A_26 = arith.constant 1 : i32
    scf.for %scan3A_33 = %scan3A_23 to %scan3A_25 step %scan3A_26  : i32 {
      %mul3A_34 = arith.constant 2 : i32
      %mul3A_35 = arith.muli %mul3A_34, %scan3A_33 : i32
      %add3A = arith.constant 1 : i32
      %add3A_36 = arith.addi %mul3A_35, %add3A : i32
      %dma_start3A_37 = arith.constant 0 : i32
      %dma_start3A_38 = tpu.memref_slice %arg7[%add3A_36, %dma_start3A_37] : memref<40x128xi32, #tpu.memory_space<vmem>> -> memref<1x128xi32, #tpu.memory_space<vmem>>
      %dma_start3A_39 = tpu.memref_squeeze %dma_start3A_38 : memref<1x128xi32, #tpu.memory_space<vmem>> -> memref<128xi32, #tpu.memory_space<vmem>>
      %dma_start3A_40 = arith.constant 0 : i32
      %dma_start3A_41 = arith.constant 0 : i32
      %dma_start3A_42 = tpu.memref_slice %arg2[%dma_start3A_40, %dma_start3A_41] : memref<10000x128xf32, #tpu.memory_space<hbm>> -> memref<10000x128xf32, #tpu.memory_space<hbm>>
      tpu.enqueue_indirect_dma source(%dma_start3A_42 : memref<10000x128xf32, #tpu.memory_space<hbm>>) target(%arg10 : memref<128x128xf32, #tpu.memory_space<vmem>>) offsets(%dma_start3A_39 : memref<128xi32, #tpu.memory_space<vmem>>) semaphore(%arg13 : memref<!tpu.dma_semaphore, #tpu.memory_space<semaphore_mem>>)
      %dma_wait3A_43 = arith.constant 0 : i32
      %dma_wait3A_44 = tpu.memref_slice %arg7[%mul3A_35, %dma_wait3A_43] : memref<40x128xi32, #tpu.memory_space<vmem>> -> memref<1x128xi32, #tpu.memory_space<vmem>>
      %dma_wait3A_45 = tpu.memref_squeeze %dma_wait3A_44 : memref<1x128xi32, #tpu.memory_space<vmem>> -> memref<128xi32, #tpu.memory_space<vmem>>
      %dma_wait3A_46 = arith.constant 0 : i32
      %dma_wait3A_47 = arith.constant 0 : i32
      %dma_wait3A_48 = tpu.memref_slice %arg2[%dma_wait3A_46, %dma_wait3A_47] : memref<10000x128xf32, #tpu.memory_space<hbm>> -> memref<10000x128xf32, #tpu.memory_space<hbm>>
      tpu.wait_indirect_dma semaphore(%arg12 : memref<!tpu.dma_semaphore, #tpu.memory_space<semaphore_mem>>) src(%dma_wait3A_48 : memref<10000x128xf32, #tpu.memory_space<hbm>>) dst(%arg9 : memref<128x128xf32, #tpu.memory_space<vmem>>)
      "tpu.region"() ({
        %run_scoped3A = tpu.sem_alloc : memref<!tpu.dma_semaphore, #tpu.memory_space<semaphore_mem>>
        %dma_start3A_61 = arith.constant 0 : i32
        %dma_start3A_62 = tpu.memref_slice %arg8[%mul3A_35, %dma_start3A_61] : memref<40x128xi32, #tpu.memory_space<vmem>> -> memref<1x128xi32, #tpu.memory_space<vmem>>
        %dma_start3A_63 = tpu.memref_squeeze %dma_start3A_62 : memref<1x128xi32, #tpu.memory_space<vmem>> -> memref<128xi32, #tpu.memory_space<vmem>>
        %dma_start3A_64 = arith.constant 0 : i32
        %dma_start3A_65 = arith.constant 0 : i32
        %dma_start3A_66 = tpu.memref_slice %arg11[%dma_start3A_64, %dma_start3A_65] : memref<10240x128xf32, #tpu.memory_space<vmem_shared>> -> memref<10240x128xf32, #tpu.memory_space<vmem_shared>>
        tpu.enqueue_indirect_dma source(%arg9 : memref<128x128xf32, #tpu.memory_space<vmem>>) target(%dma_start3A_66 : memref<10240x128xf32, #tpu.memory_space<vmem_shared>>) offsets(%dma_start3A_63 : memref<128xi32, #tpu.memory_space<vmem>>) semaphore(%run_scoped3A : memref<!tpu.dma_semaphore, #tpu.memory_space<semaphore_mem>>) {add = true}
        %dma_wait3A_67 = arith.constant 0 : i32
        %dma_wait3A_68 = tpu.memref_slice %arg8[%mul3A_35, %dma_wait3A_67] : memref<40x128xi32, #tpu.memory_space<vmem>> -> memref<1x128xi32, #tpu.memory_space<vmem>>
        %dma_wait3A_69 = tpu.memref_squeeze %dma_wait3A_68 : memref<1x128xi32, #tpu.memory_space<vmem>> -> memref<128xi32, #tpu.memory_space<vmem>>
        %dma_wait3A_70 = arith.constant 0 : i32
        %dma_wait3A_71 = arith.constant 0 : i32
        %dma_wait3A_72 = tpu.memref_slice %arg11[%dma_wait3A_70, %dma_wait3A_71] : memref<10240x128xf32, #tpu.memory_space<vmem_shared>> -> memref<10240x128xf32, #tpu.memory_space<vmem_shared>>
        tpu.wait_indirect_dma semaphore(%run_scoped3A : memref<!tpu.dma_semaphore, #tpu.memory_space<semaphore_mem>>) src(%arg9 : memref<128x128xf32, #tpu.memory_space<vmem>>) dst(%dma_wait3A_72 : memref<10240x128xf32, #tpu.memory_space<vmem_shared>>)
        tpu.yield
      }) : () -> ()
      %lt3A = arith.constant 19 : i32
      %lt3A_49 = arith.cmpi slt, %scan3A_33, %lt3A : i32
      %convert_element_type3A = arith.extui %lt3A_49 : i1 to i32
      %cond3A = arith.constant 0 : i32
      %cond3A_50 = arith.cmpi ne, %convert_element_type3A, %cond3A : i32
      scf.if %cond3A_50 {
        %add3A_61 = arith.constant 2 : i32
        %add3A_62 = arith.addi %mul3A_35, %add3A_61 : i32
        %dma_start3A_63 = arith.constant 0 : i32
        %dma_start3A_64 = tpu.memref_slice %arg7[%add3A_62, %dma_start3A_63] : memref<40x128xi32, #tpu.memory_space<vmem>> -> memref<1x128xi32, #tpu.memory_space<vmem>>
        %dma_start3A_65 = tpu.memref_squeeze %dma_start3A_64 : memref<1x128xi32, #tpu.memory_space<vmem>> -> memref<128xi32, #tpu.memory_space<vmem>>
        %dma_start3A_66 = arith.constant 0 : i32
        %dma_start3A_67 = arith.constant 0 : i32
        %dma_start3A_68 = tpu.memref_slice %arg2[%dma_start3A_66, %dma_start3A_67] : memref<10000x128xf32, #tpu.memory_space<hbm>> -> memref<10000x128xf32, #tpu.memory_space<hbm>>
        tpu.enqueue_indirect_dma source(%dma_start3A_68 : memref<10000x128xf32, #tpu.memory_space<hbm>>) target(%arg9 : memref<128x128xf32, #tpu.memory_space<vmem>>) offsets(%dma_start3A_65 : memref<128xi32, #tpu.memory_space<vmem>>) semaphore(%arg12 : memref<!tpu.dma_semaphore, #tpu.memory_space<semaphore_mem>>)
      } else {
      }
      %add3A_51 = arith.constant 1 : i32
      %add3A_52 = arith.addi %mul3A_35, %add3A_51 : i32
      %dma_wait3A_53 = arith.constant 0 : i32
      %dma_wait3A_54 = tpu.memref_slice %arg7[%add3A_52, %dma_wait3A_53] : memref<40x128xi32, #tpu.memory_space<vmem>> -> memref<1x128xi32, #tpu.memory_space<vmem>>
      %dma_wait3A_55 = tpu.memref_squeeze %dma_wait3A_54 : memref<1x128xi32, #tpu.memory_space<vmem>> -> memref<128xi32, #tpu.memory_space<vmem>>
      %dma_wait3A_56 = arith.constant 0 : i32
      %dma_wait3A_57 = arith.constant 0 : i32
      %dma_wait3A_58 = tpu.memref_slice %arg2[%dma_wait3A_56, %dma_wait3A_57] : memref<10000x128xf32, #tpu.memory_space<hbm>> -> memref<10000x128xf32, #tpu.memory_space<hbm>>
      tpu.wait_indirect_dma semaphore(%arg13 : memref<!tpu.dma_semaphore, #tpu.memory_space<semaphore_mem>>) src(%dma_wait3A_58 : memref<10000x128xf32, #tpu.memory_space<hbm>>) dst(%arg10 : memref<128x128xf32, #tpu.memory_space<vmem>>)
      %add3A_59 = arith.constant 1 : i32
      %add3A_60 = arith.addi %mul3A_35, %add3A_59 : i32
      "tpu.region"() ({
        %run_scoped3A = tpu.sem_alloc : memref<!tpu.dma_semaphore, #tpu.memory_space<semaphore_mem>>
        %dma_start3A_61 = arith.constant 0 : i32
        %dma_start3A_62 = tpu.memref_slice %arg8[%add3A_60, %dma_start3A_61] : memref<40x128xi32, #tpu.memory_space<vmem>> -> memref<1x128xi32, #tpu.memory_space<vmem>>
        %dma_start3A_63 = tpu.memref_squeeze %dma_start3A_62 : memref<1x128xi32, #tpu.memory_space<vmem>> -> memref<128xi32, #tpu.memory_space<vmem>>
        %dma_start3A_64 = arith.constant 0 : i32
        %dma_start3A_65 = arith.constant 0 : i32
        %dma_start3A_66 = tpu.memref_slice %arg11[%dma_start3A_64, %dma_start3A_65] : memref<10240x128xf32, #tpu.memory_space<vmem_shared>> -> memref<10240x128xf32, #tpu.memory_space<vmem_shared>>
        tpu.enqueue_indirect_dma source(%arg10 : memref<128x128xf32, #tpu.memory_space<vmem>>) target(%dma_start3A_66 : memref<10240x128xf32, #tpu.memory_space<vmem_shared>>) offsets(%dma_start3A_63 : memref<128xi32, #tpu.memory_space<vmem>>) semaphore(%run_scoped3A : memref<!tpu.dma_semaphore, #tpu.memory_space<semaphore_mem>>) {add = true}
        %dma_wait3A_67 = arith.constant 0 : i32
        %dma_wait3A_68 = tpu.memref_slice %arg8[%add3A_60, %dma_wait3A_67] : memref<40x128xi32, #tpu.memory_space<vmem>> -> memref<1x128xi32, #tpu.memory_space<vmem>>
        %dma_wait3A_69 = tpu.memref_squeeze %dma_wait3A_68 : memref<1x128xi32, #tpu.memory_space<vmem>> -> memref<128xi32, #tpu.memory_space<vmem>>
        %dma_wait3A_70 = arith.constant 0 : i32
        %dma_wait3A_71 = arith.constant 0 : i32
        %dma_wait3A_72 = tpu.memref_slice %arg11[%dma_wait3A_70, %dma_wait3A_71] : memref<10240x128xf32, #tpu.memory_space<vmem_shared>> -> memref<10240x128xf32, #tpu.memory_space<vmem_shared>>
        tpu.wait_indirect_dma semaphore(%run_scoped3A : memref<!tpu.dma_semaphore, #tpu.memory_space<semaphore_mem>>) src(%arg10 : memref<128x128xf32, #tpu.memory_space<vmem>>) dst(%dma_wait3A_72 : memref<10240x128xf32, #tpu.memory_space<vmem_shared>>)
        tpu.yield
      }) : () -> ()
    }
    %scan3A_27 = arith.constant 20 : i32
    %barrier3A_28 = arith.constant 0 : index
    tpu.barrier barrier_id(%barrier3A_28)
    %mul3A_29 = arith.constant 640 : i32
    %mul3A_30 = arith.muli %arg1, %mul3A_29 : i32
    %mul3A_31 = arith.constant 640 : i32
    %mul3A_32 = arith.muli %arg1, %mul3A_31 : i32
    "tpu.region"() ({
      %run_scoped3A = tpu.sem_alloc : memref<!tpu.dma_semaphore, #tpu.memory_space<semaphore_mem>>
      %dma_start3A_33 = arith.constant 0 : i32
      %dma_start3A_34 = arith.constant 0 : i32
      %dma_start3A_35 = tpu.memref_slice %arg6[%arg0, %dma_start3A_33, %dma_start3A_34] : memref<2x10240x128xf32, #tpu.memory_space<hbm>> -> memref<1x10240x128xf32, #tpu.memory_space<hbm>>
      %dma_start3A_36 = tpu.memref_squeeze %dma_start3A_35 : memref<1x10240x128xf32, #tpu.memory_space<hbm>> -> memref<10240x128xf32, #tpu.memory_space<hbm>>
      %dma_start3A_37 = arith.constant 0 : i32
      %dma_start3A_38 = tpu.memref_slice %dma_start3A_36[%mul3A_32, %dma_start3A_37] : memref<10240x128xf32, #tpu.memory_space<hbm>> -> memref<640x128xf32, #tpu.memory_space<hbm>>
      %dma_start3A_39 = arith.constant 0 : i32
      %dma_start3A_40 = tpu.memref_slice %arg11[%mul3A_30, %dma_start3A_39] : memref<10240x128xf32, #tpu.memory_space<vmem_shared>> -> memref<640x128xf32, #tpu.memory_space<vmem_shared>>
      tpu.enqueue_dma source(%dma_start3A_40 : memref<640x128xf32, #tpu.memory_space<vmem_shared>>) target(%dma_start3A_38 : memref<640x128xf32, #tpu.memory_space<hbm>>) target_semaphore(%run_scoped3A : memref<!tpu.dma_semaphore, #tpu.memory_space<semaphore_mem>>)
      %dma_wait3A_41 = arith.constant 0 : i32
      %dma_wait3A_42 = arith.constant 0 : i32
      %dma_wait3A_43 = tpu.memref_slice %arg6[%arg0, %dma_wait3A_41, %dma_wait3A_42] : memref<2x10240x128xf32, #tpu.memory_space<hbm>> -> memref<1x10240x128xf32, #tpu.memory_space<hbm>>
      %dma_wait3A_44 = tpu.memref_squeeze %dma_wait3A_43 : memref<1x10240x128xf32, #tpu.memory_space<hbm>> -> memref<10240x128xf32, #tpu.memory_space<hbm>>
      %dma_wait3A_45 = arith.constant 0 : i32
      %dma_wait3A_46 = tpu.memref_slice %dma_wait3A_44[%mul3A_32, %dma_wait3A_45] : memref<10240x128xf32, #tpu.memory_space<hbm>> -> memref<640x128xf32, #tpu.memory_space<hbm>>
      %dma_wait3A_47 = arith.constant 0 : i32
      %dma_wait3A_48 = tpu.memref_slice %arg11[%mul3A_30, %dma_wait3A_47] : memref<10240x128xf32, #tpu.memory_space<vmem_shared>> -> memref<640x128xf32, #tpu.memory_space<vmem_shared>>
      tpu.wait_dma2 semaphore(%run_scoped3A : memref<!tpu.dma_semaphore, #tpu.memory_space<semaphore_mem>>) src(%dma_wait3A_48 : memref<640x128xf32, #tpu.memory_space<vmem_shared>>) dst(%dma_wait3A_46 : memref<640x128xf32, #tpu.memory_space<hbm>>)
      tpu.yield
    }) : () -> ()
    return
  }
}

module attributes {stable_mosaic.version = 14 : i64} {
  func.func @_tcmm_body(%arg0: i32, %arg1: memref<1000x128xf32, #tpu.memory_space<vmem>>, %arg2: memref<128x128xf32, #tpu.memory_space<vmem>>, %arg3: memref<1000x128xf32, #tpu.memory_space<vmem>>) attributes {dimension_semantics = [#tpu.dimension_semantics<arbitrary>], iteration_bounds = array<i64: 10>, scalar_prefetch = 0 : i64, scratch_operands = 0 : i64, tpu.core_type = #tpu.core_type<tc>, window_params = [{transform_indices = @transform_0, window_bounds = array<i64: 1000, 128>}, {pipeline_mode = #tpu.pipeline_mode<synchronous>, transform_indices = @transform_1, window_bounds = array<i64: 128, 128>}, {transform_indices = @transform_2, window_bounds = array<i64: 1000, 128>}]} {
    %get3A = arith.constant 0 : index
    %get3A_0 = arith.constant 0 : index
    %get3A_1 = vector.load %arg1[%get3A, %get3A_0] : memref<1000x128xf32, #tpu.memory_space<vmem>>, vector<1000x128xf32>
    %get3A_2 = arith.constant 0 : index
    %get3A_3 = arith.constant 0 : index
    %get3A_4 = vector.load %arg2[%get3A_2, %get3A_3] : memref<128x128xf32, #tpu.memory_space<vmem>>, vector<128x128xf32>
    %dot_general3A = arith.constant dense<0.000000e+00> : vector<1000x128xf32>
    %dot_general3A_5 = tpu.matmul %get3A_1, %get3A_4, %dot_general3A {dimension_numbers = #tpu.dot_dimension_numbers<[1], [0], [0], [1], [0, 0, 1, 1], [], []>, transpose_lhs_hint = false} : vector<1000x128xf32>, vector<128x128xf32>, vector<1000x128xf32> -> vector<1000x128xf32>
    %swap3A = arith.constant 0 : index
    %swap3A_6 = arith.constant 0 : index
    %swap3A_7 = vector.load %arg3[%swap3A, %swap3A_6] : memref<1000x128xf32, #tpu.memory_space<vmem>>, vector<1000x128xf32>
    tpu.vector_store %arg3[%swap3A, %swap3A_6], %dot_general3A_5 {strides = array<i32>} : memref<1000x128xf32, #tpu.memory_space<vmem>>, vector<1000x128xf32>,
    return
  }
  func.func @transform_0(%arg0: i32) -> (i32, i32) {
    %c0_i32 = arith.constant 0 : i32
    %c0_i32_0 = arith.constant 0 : i32
    return %arg0, %c0_i32 : i32, i32
  }
  func.func @transform_1(%arg0: i32) -> (i32, i32) {
    %c0_i32 = arith.constant 0 : i32
    %c0_i32_0 = arith.constant 0 : i32
    %c0_i32_1 = arith.constant 0 : i32
    return %c0_i32, %c0_i32_0 : i32, i32
  }
  func.func @transform_2(%arg0: i32) -> (i32, i32) {
    %c0_i32 = arith.constant 0 : i32
    %c0_i32_0 = arith.constant 0 : i32
    return %arg0, %c0_i32 : i32, i32
  }
}

module attributes {stable_mosaic.version = 14 : i64} {
  func.func @_tcscale_body(%arg0: i32, %arg1: memref<1000x128xf32, #tpu.memory_space<vmem>>, %arg2: memref<2x1000x16xf32, #tpu.memory_space<vmem>>, %arg3: memref<1000x128xf32, #tpu.memory_space<vmem>>) attributes {dimension_semantics = [#tpu.dimension_semantics<arbitrary>], iteration_bounds = array<i64: 10>, scalar_prefetch = 0 : i64, scratch_operands = 0 : i64, tpu.core_type = #tpu.core_type<tc>, window_params = [{transform_indices = @transform_0, window_bounds = array<i64: 1000, 128>}, {transform_indices = @transform_1, window_bounds = array<i64: 2, 1000, 16>}, {transform_indices = @transform_2, window_bounds = array<i64: 1000, 128>}]} {
    %get3A = arith.constant 0 : index
    %get3A_0 = arith.constant 0 : index
    %get3A_1 = vector.load %arg1[%get3A, %get3A_0] : memref<1000x128xf32, #tpu.memory_space<vmem>>, vector<1000x128xf32>
    %get3A_2 = arith.constant 0 : index
    %get3A_3 = arith.constant 0 : index
    %get3A_4 = arith.constant 0 : index
    %get3A_5 = vector.load %arg2[%get3A_2, %get3A_3, %get3A_4] : memref<2x1000x16xf32, #tpu.memory_space<vmem>>, vector<1x1000x1xf32>
    %get3A_6 = vector.shape_cast %get3A_5 : vector<1x1000x1xf32> to vector<1000x1xf32>
    %get3A_7 = arith.constant 1 : index
    %get3A_8 = arith.constant 0 : index
    %get3A_9 = arith.constant 0 : index
    %get3A_10 = vector.load %arg2[%get3A_7, %get3A_8, %get3A_9] : memref<2x1000x16xf32, #tpu.memory_space<vmem>>, vector<1x1000x1xf32>
    %get3A_11 = vector.shape_cast %get3A_10 : vector<1x1000x1xf32> to vector<1000x1xf32>
    %add3A = arith.addf %get3A_6, %get3A_11 : vector<1000x1xf32>
    %add3A_12 = arith.constant 1.000000e+00 : f32
    %add3A_13 = vector.broadcast %add3A_12 : f32 to vector<1000x1xf32>
    %add3A_14 = arith.addf %add3A, %add3A_13 : vector<1000x1xf32>
    %rsqrt3A = math.rsqrt %add3A_14 : vector<1000x1xf32>
    %mul3A = vector.broadcast %rsqrt3A : vector<1000x1xf32> to vector<1000x128xf32>
    %mul3A_15 = arith.mulf %get3A_1, %mul3A : vector<1000x128xf32>
    %swap3A = arith.constant 0 : index
    %swap3A_16 = arith.constant 0 : index
    %swap3A_17 = vector.load %arg3[%swap3A, %swap3A_16] : memref<1000x128xf32, #tpu.memory_space<vmem>>, vector<1000x128xf32>
    tpu.vector_store %arg3[%swap3A, %swap3A_16], %mul3A_15 {strides = array<i32>} : memref<1000x128xf32, #tpu.memory_space<vmem>>, vector<1000x128xf32>,
    return
  }
  func.func @transform_0(%arg0: i32) -> (i32, i32) {
    %c0_i32 = arith.constant 0 : i32
    %c0_i32_0 = arith.constant 0 : i32
    return %arg0, %c0_i32 : i32, i32
  }
  func.func @transform_1(%arg0: i32) -> (i32, i32, i32) {
    %c0_i32 = arith.constant 0 : i32
    %c0_i32_0 = arith.constant 0 : i32
    %c0_i32_1 = arith.constant 0 : i32
    return %c0_i32, %arg0, %c0_i32_0 : i32, i32, i32
  }
  func.func @transform_2(%arg0: i32) -> (i32, i32) {
    %c0_i32 = arith.constant 0 : i32
    %c0_i32_0 = arith.constant 0 : i32
    return %arg0, %c0_i32 : i32, i32
  }
}

module attributes {stable_mosaic.version = 14 : i64} {
  func.func @_tc2_body(%arg0: i32, %arg1: memref<2x1000x128xf32, #tpu.memory_space<vmem>>, %arg2: memref<1000x128xf32, #tpu.memory_space<vmem>>, %arg3: memref<2x1000x16xf32, #tpu.memory_space<vmem>>, %arg4: memref<1x128xf32, #tpu.memory_space<vmem>>, %arg5: memref<128x128xf32, #tpu.memory_space<vmem>>, %arg6: memref<1000x128xf32, #tpu.memory_space<vmem>>) attributes {dimension_semantics = [#tpu.dimension_semantics<arbitrary>], iteration_bounds = array<i64: 10>, scalar_prefetch = 0 : i64, scratch_operands = 0 : i64, tpu.core_type = #tpu.core_type<tc>, window_params = [{transform_indices = @transform_0, window_bounds = array<i64: 2, 1000, 128>}, {transform_indices = @transform_1, window_bounds = array<i64: 1000, 128>}, {transform_indices = @transform_2, window_bounds = array<i64: 2, 1000, 16>}, {pipeline_mode = #tpu.pipeline_mode<synchronous>, transform_indices = @transform_3, window_bounds = array<i64: 1, 128>}, {pipeline_mode = #tpu.pipeline_mode<synchronous>, transform_indices = @transform_4, window_bounds = array<i64: 128, 128>}, {transform_indices = @transform_5, window_bounds = array<i64: 1000, 128>}]} {
    %get3A = arith.constant 0 : index
    %get3A_0 = arith.constant 0 : index
    %get3A_1 = arith.constant 0 : index
    %get3A_2 = vector.load %arg3[%get3A, %get3A_0, %get3A_1] : memref<2x1000x16xf32, #tpu.memory_space<vmem>>, vector<1x1000x1xf32>
    %get3A_3 = vector.shape_cast %get3A_2 : vector<1x1000x1xf32> to vector<1000x1xf32>
    %get3A_4 = arith.constant 1 : index
    %get3A_5 = arith.constant 0 : index
    %get3A_6 = arith.constant 0 : index
    %get3A_7 = vector.load %arg3[%get3A_4, %get3A_5, %get3A_6] : memref<2x1000x16xf32, #tpu.memory_space<vmem>>, vector<1x1000x1xf32>
    %get3A_8 = vector.shape_cast %get3A_7 : vector<1x1000x1xf32> to vector<1000x1xf32>
    %add3A = arith.addf %get3A_3, %get3A_8 : vector<1000x1xf32>
    %add3A_9 = arith.constant 1.000000e+00 : f32
    %add3A_10 = vector.broadcast %add3A_9 : f32 to vector<1000x1xf32>
    %add3A_11 = arith.addf %add3A, %add3A_10 : vector<1000x1xf32>
    %rsqrt3A = math.rsqrt %add3A_11 : vector<1000x1xf32>
    %get3A_12 = arith.constant 0 : index
    %get3A_13 = arith.constant 0 : index
    %get3A_14 = arith.constant 0 : index
    %get3A_15 = vector.load %arg1[%get3A_12, %get3A_13, %get3A_14] : memref<2x1000x128xf32, #tpu.memory_space<vmem>>, vector<1x1000x128xf32>
    %get3A_16 = vector.shape_cast %get3A_15 : vector<1x1000x128xf32> to vector<1000x128xf32>
    %get3A_17 = arith.constant 1 : index
    %get3A_18 = arith.constant 0 : index
    %get3A_19 = arith.constant 0 : index
    %get3A_20 = vector.load %arg1[%get3A_17, %get3A_18, %get3A_19] : memref<2x1000x128xf32, #tpu.memory_space<vmem>>, vector<1x1000x128xf32>
    %get3A_21 = vector.shape_cast %get3A_20 : vector<1x1000x128xf32> to vector<1000x128xf32>
    %add3A_22 = arith.addf %get3A_16, %get3A_21 : vector<1000x128xf32>
    %get3A_23 = arith.constant 0 : index
    %get3A_24 = arith.constant 0 : index
    %get3A_25 = vector.load %arg2[%get3A_23, %get3A_24] : memref<1000x128xf32, #tpu.memory_space<vmem>>, vector<1000x128xf32>
    %add3A_26 = arith.addf %add3A_22, %get3A_25 : vector<1000x128xf32>
    %mul3A = vector.broadcast %rsqrt3A : vector<1000x1xf32> to vector<1000x128xf32>
    %mul3A_27 = arith.mulf %mul3A, %add3A_26 : vector<1000x128xf32>
    %get3A_28 = arith.constant 0 : index
    %get3A_29 = arith.constant 0 : index
    %get3A_30 = vector.load %arg4[%get3A_28, %get3A_29] : memref<1x128xf32, #tpu.memory_space<vmem>>, vector<1x128xf32>
    %add3A_31 = vector.broadcast %get3A_30 : vector<1x128xf32> to vector<1000x128xf32>
    %add3A_32 = arith.addf %mul3A_27, %add3A_31 : vector<1000x128xf32>
    %max3A = arith.constant 0.000000e+00 : f32
    %max3A_33 = vector.broadcast %max3A : f32 to vector<1000x128xf32>
    %max3A_34 = arith.maximumf %add3A_32, %max3A_33 : vector<1000x128xf32>
    %get3A_35 = arith.constant 0 : index
    %get3A_36 = arith.constant 0 : index
    %get3A_37 = vector.load %arg5[%get3A_35, %get3A_36] : memref<128x128xf32, #tpu.memory_space<vmem>>, vector<128x128xf32>
    %dot_general3A = arith.constant dense<0.000000e+00> : vector<1000x128xf32>
    %dot_general3A_38 = tpu.matmul %max3A_34, %get3A_37, %dot_general3A {dimension_numbers = #tpu.dot_dimension_numbers<[1], [0], [0], [1], [0, 0, 1, 1], [], []>, transpose_lhs_hint = false} : vector<1000x128xf32>, vector<128x128xf32>, vector<1000x128xf32> -> vector<1000x128xf32>
    %mul3A_39 = vector.broadcast %rsqrt3A : vector<1000x1xf32> to vector<1000x128xf32>
    %mul3A_40 = arith.mulf %dot_general3A_38, %mul3A_39 : vector<1000x128xf32>
    %swap3A = arith.constant 0 : index
    %swap3A_41 = arith.constant 0 : index
    %swap3A_42 = vector.load %arg6[%swap3A, %swap3A_41] : memref<1000x128xf32, #tpu.memory_space<vmem>>, vector<1000x128xf32>
    tpu.vector_store %arg6[%swap3A, %swap3A_41], %mul3A_40 {strides = array<i32>} : memref<1000x128xf32, #tpu.memory_space<vmem>>, vector<1000x128xf32>,
    return
  }
  func.func @transform_0(%arg0: i32) -> (i32, i32, i32) {
    %c0_i32 = arith.constant 0 : i32
    %c0_i32_0 = arith.constant 0 : i32
    %c0_i32_1 = arith.constant 0 : i32
    return %c0_i32, %arg0, %c0_i32_0 : i32, i32, i32
  }
  func.func @transform_1(%arg0: i32) -> (i32, i32) {
    %c0_i32 = arith.constant 0 : i32
    %c0_i32_0 = arith.constant 0 : i32
    return %arg0, %c0_i32 : i32, i32
  }
  func.func @transform_2(%arg0: i32) -> (i32, i32, i32) {
    %c0_i32 = arith.constant 0 : i32
    %c0_i32_0 = arith.constant 0 : i32
    %c0_i32_1 = arith.constant 0 : i32
    return %c0_i32, %arg0, %c0_i32_0 : i32, i32, i32
  }
  func.func @transform_3(%arg0: i32) -> (i32, i32) {
    %c0_i32 = arith.constant 0 : i32
    %c0_i32_0 = arith.constant 0 : i32
    %c0_i32_1 = arith.constant 0 : i32
    return %c0_i32, %c0_i32_0 : i32, i32
  }
  func.func @transform_4(%arg0: i32) -> (i32, i32) {
    %c0_i32 = arith.constant 0 : i32
    %c0_i32_0 = arith.constant 0 : i32
    %c0_i32_1 = arith.constant 0 : i32
    return %c0_i32, %c0_i32_0 : i32, i32
  }
  func.func @transform_5(%arg0: i32) -> (i32, i32) {
    %c0_i32 = arith.constant 0 : i32
    %c0_i32_0 = arith.constant 0 : i32
    return %arg0, %c0_i32 : i32, i32
  }
}

module attributes {stable_mosaic.version = 14 : i64} {
  func.func @_tc3_body(%arg0: i32, %arg1: memref<2x1000x128xf32, #tpu.memory_space<vmem>>, %arg2: memref<1000x128xf32, #tpu.memory_space<vmem>>, %arg3: memref<2x1000x16xf32, #tpu.memory_space<vmem>>, %arg4: memref<1x128xf32, #tpu.memory_space<vmem>>, %arg5: memref<128x64xf32, #tpu.memory_space<vmem>>, %arg6: memref<1x64xf32, #tpu.memory_space<vmem>>, %arg7: memref<1000x64xf32, #tpu.memory_space<vmem>>) attributes {dimension_semantics = [#tpu.dimension_semantics<arbitrary>], iteration_bounds = array<i64: 10>, scalar_prefetch = 0 : i64, scratch_operands = 0 : i64, tpu.core_type = #tpu.core_type<tc>, window_params = [{transform_indices = @transform_0, window_bounds = array<i64: 2, 1000, 128>}, {transform_indices = @transform_1, window_bounds = array<i64: 1000, 128>}, {transform_indices = @transform_2, window_bounds = array<i64: 2, 1000, 16>}, {pipeline_mode = #tpu.pipeline_mode<synchronous>, transform_indices = @transform_3, window_bounds = array<i64: 1, 128>}, {pipeline_mode = #tpu.pipeline_mode<synchronous>, transform_indices = @transform_4, window_bounds = array<i64: 128, 64>}, {pipeline_mode = #tpu.pipeline_mode<synchronous>, transform_indices = @transform_5, window_bounds = array<i64: 1, 64>}, {transform_indices = @transform_6, window_bounds = array<i64: 1000, 64>}]} {
    %get3A = arith.constant 0 : index
    %get3A_0 = arith.constant 0 : index
    %get3A_1 = arith.constant 0 : index
    %get3A_2 = vector.load %arg3[%get3A, %get3A_0, %get3A_1] : memref<2x1000x16xf32, #tpu.memory_space<vmem>>, vector<1x1000x1xf32>
    %get3A_3 = vector.shape_cast %get3A_2 : vector<1x1000x1xf32> to vector<1000x1xf32>
    %get3A_4 = arith.constant 1 : index
    %get3A_5 = arith.constant 0 : index
    %get3A_6 = arith.constant 0 : index
    %get3A_7 = vector.load %arg3[%get3A_4, %get3A_5, %get3A_6] : memref<2x1000x16xf32, #tpu.memory_space<vmem>>, vector<1x1000x1xf32>
    %get3A_8 = vector.shape_cast %get3A_7 : vector<1x1000x1xf32> to vector<1000x1xf32>
    %add3A = arith.addf %get3A_3, %get3A_8 : vector<1000x1xf32>
    %add3A_9 = arith.constant 1.000000e+00 : f32
    %add3A_10 = vector.broadcast %add3A_9 : f32 to vector<1000x1xf32>
    %add3A_11 = arith.addf %add3A, %add3A_10 : vector<1000x1xf32>
    %rsqrt3A = math.rsqrt %add3A_11 : vector<1000x1xf32>
    %get3A_12 = arith.constant 0 : index
    %get3A_13 = arith.constant 0 : index
    %get3A_14 = arith.constant 0 : index
    %get3A_15 = vector.load %arg1[%get3A_12, %get3A_13, %get3A_14] : memref<2x1000x128xf32, #tpu.memory_space<vmem>>, vector<1x1000x128xf32>
    %get3A_16 = vector.shape_cast %get3A_15 : vector<1x1000x128xf32> to vector<1000x128xf32>
    %get3A_17 = arith.constant 1 : index
    %get3A_18 = arith.constant 0 : index
    %get3A_19 = arith.constant 0 : index
    %get3A_20 = vector.load %arg1[%get3A_17, %get3A_18, %get3A_19] : memref<2x1000x128xf32, #tpu.memory_space<vmem>>, vector<1x1000x128xf32>
    %get3A_21 = vector.shape_cast %get3A_20 : vector<1x1000x128xf32> to vector<1000x128xf32>
    %add3A_22 = arith.addf %get3A_16, %get3A_21 : vector<1000x128xf32>
    %get3A_23 = arith.constant 0 : index
    %get3A_24 = arith.constant 0 : index
    %get3A_25 = vector.load %arg2[%get3A_23, %get3A_24] : memref<1000x128xf32, #tpu.memory_space<vmem>>, vector<1000x128xf32>
    %add3A_26 = arith.addf %add3A_22, %get3A_25 : vector<1000x128xf32>
    %mul3A = vector.broadcast %rsqrt3A : vector<1000x1xf32> to vector<1000x128xf32>
    %mul3A_27 = arith.mulf %mul3A, %add3A_26 : vector<1000x128xf32>
    %get3A_28 = arith.constant 0 : index
    %get3A_29 = arith.constant 0 : index
    %get3A_30 = vector.load %arg4[%get3A_28, %get3A_29] : memref<1x128xf32, #tpu.memory_space<vmem>>, vector<1x128xf32>
    %add3A_31 = vector.broadcast %get3A_30 : vector<1x128xf32> to vector<1000x128xf32>
    %add3A_32 = arith.addf %mul3A_27, %add3A_31 : vector<1000x128xf32>
    %max3A = arith.constant 0.000000e+00 : f32
    %max3A_33 = vector.broadcast %max3A : f32 to vector<1000x128xf32>
    %max3A_34 = arith.maximumf %add3A_32, %max3A_33 : vector<1000x128xf32>
    %get3A_35 = arith.constant 0 : index
    %get3A_36 = arith.constant 0 : index
    %get3A_37 = vector.load %arg5[%get3A_35, %get3A_36] : memref<128x64xf32, #tpu.memory_space<vmem>>, vector<128x64xf32>
    %dot_general3A = arith.constant dense<0.000000e+00> : vector<1000x64xf32>
    %dot_general3A_38 = tpu.matmul %max3A_34, %get3A_37, %dot_general3A {dimension_numbers = #tpu.dot_dimension_numbers<[1], [0], [0], [1], [0, 0, 1, 1], [], []>, transpose_lhs_hint = false} : vector<1000x128xf32>, vector<128x64xf32>, vector<1000x64xf32> -> vector<1000x64xf32>
    %get3A_39 = arith.constant 0 : index
    %get3A_40 = arith.constant 0 : index
    %get3A_41 = vector.load %arg6[%get3A_39, %get3A_40] : memref<1x64xf32, #tpu.memory_space<vmem>>, vector<1x64xf32>
    %add3A_42 = vector.broadcast %get3A_41 : vector<1x64xf32> to vector<1000x64xf32>
    %add3A_43 = arith.addf %dot_general3A_38, %add3A_42 : vector<1000x64xf32>
    %swap3A = arith.constant 0 : index
    %swap3A_44 = arith.constant 0 : index
    %swap3A_45 = vector.load %arg7[%swap3A, %swap3A_44] : memref<1000x64xf32, #tpu.memory_space<vmem>>, vector<1000x64xf32>
    tpu.vector_store %arg7[%swap3A, %swap3A_44], %add3A_43 {strides = array<i32>} : memref<1000x64xf32, #tpu.memory_space<vmem>>, vector<1000x64xf32>,
    return
  }
  func.func @transform_0(%arg0: i32) -> (i32, i32, i32) {
    %c0_i32 = arith.constant 0 : i32
    %c0_i32_0 = arith.constant 0 : i32
    %c0_i32_1 = arith.constant 0 : i32
    return %c0_i32, %arg0, %c0_i32_0 : i32, i32, i32
  }
  func.func @transform_1(%arg0: i32) -> (i32, i32) {
    %c0_i32 = arith.constant 0 : i32
    %c0_i32_0 = arith.constant 0 : i32
    return %arg0, %c0_i32 : i32, i32
  }
  func.func @transform_2(%arg0: i32) -> (i32, i32, i32) {
    %c0_i32 = arith.constant 0 : i32
    %c0_i32_0 = arith.constant 0 : i32
    %c0_i32_1 = arith.constant 0 : i32
    return %c0_i32, %arg0, %c0_i32_0 : i32, i32, i32
  }
  func.func @transform_3(%arg0: i32) -> (i32, i32) {
    %c0_i32 = arith.constant 0 : i32
    %c0_i32_0 = arith.constant 0 : i32
    %c0_i32_1 = arith.constant 0 : i32
    return %c0_i32, %c0_i32_0 : i32, i32
  }
  func.func @transform_4(%arg0: i32) -> (i32, i32) {
    %c0_i32 = arith.constant 0 : i32
    %c0_i32_0 = arith.constant 0 : i32
    %c0_i32_1 = arith.constant 0 : i32
    return %c0_i32, %c0_i32_0 : i32, i32
  }
  func.func @transform_5(%arg0: i32) -> (i32, i32) {
    %c0_i32 = arith.constant 0 : i32
    %c0_i32_0 = arith.constant 0 : i32
    %c0_i32_1 = arith.constant 0 : i32
    return %c0_i32, %c0_i32_0 : i32, i32
  }
  func.func @transform_6(%arg0: i32) -> (i32, i32) {
    %c0_i32 = arith.constant 0 : i32
    %c0_i32_0 = arith.constant 0 : i32
    return %arg0, %c0_i32 : i32, i32
  }
}

</mosaic_0001>

<sc_bundles>
// kernel: kernel.12.cloned.1.call-start
scs
__scs_entry_jumppad:
0x0: {  	(pc) =	sbr.rel $0x88, $3  }
0x1: {  	(tag) =	ssettag $0x0;
	lr =	simm.s32 $0x1  }
0x2: {  	[smem:$0x3F99] =	sst lr;
	_ =	strace $0xD0000000  }
0x3: {  	_ = 	snop  }
0x4: {  	_ = 	snop  }
0x5: {  	_ = 	snop  }
0x6: {  	_ = 	snop  }
0x7: {  	_ = 	snop  }
__scs_overlays_trampoline_lowered:
0x8: {  	[smem:$0x3FA8] =	sst s0  }
0x9: {  	[smem:$0x3FA9] =	sst s1  }
0xa: {  	[smem:$0x3FAA] =	sst s2  }
0xb: {  	[smem:$0x3FAB] =	sst s3  }
0xc: {  	[smem:$0x3FAC] =	sst s4  }
0xd: {  	[smem:$0x3FAD] =	sst s5  }
0xe: {  	[smem:$0x3FAE] =	sst s6  }
0xf: {  	[smem:$0x3FAF] =	sst s7  }
0x10: {  	[smem:$0x3FB0] =	sst s8  }
0x11: {  	[smem:$0x3FB1] =	sst s9;
	s0 =	simm.s32 @!p0 $0x0  }
0x12: {  	s1 =	sld [smem:$0x3F97];
	s0 =	simm.s32 @p0 $0x1  }
0x13: {  	[smem:$0x3FB2] =	sst s0;
	s0 =	simm.s32 @!p1 $0x0  }
0x14: {  	s2 =	sld [smem:$0x3F96];
	s0 =	simm.s32 @p1 $0x1  }
0x15: {  	[smem:$0x3FB3] =	sst s0;
	s0 =	simm.s32 @!p2 $0x0  }
0x16: {  	s3 =	sld [smem:$0x3FDB];
	s0 =	simm.s32 @p2 $0x1  }
0x17: {  	s4 =	simm.s32 $0x1BF5;
	[smem:$0x3FB5] =	sst s0  }
0x18: {  	s0 =	sld [smem:$0x3F98];
	_ =	swait.ge [sflag:s4], $0x0  }
0x19: {  	s7 =	sld [smem:$0x3F99]  }
0x1a: {  	s8 =	sadd.s32 $0xFFFFE003, lr  }
0x1b: {  	s9 =	sadd.s32 $0xFFFFFEF7, lr;
	s5 =	simm.s32 $0xFFFFFFFF;
	p2 =	slt.u32 s8, $0xFFFFF086  }
0x1c: {  	p1 =	slt.u32 s9, $0xF7A;
	s5 =	simm.s32 @!p2 $0x0  }
0x1d: {  	s5 =	simm.s32 @p1 $0x1;
	p0 =	seq.s32 s7, s2  }
0x1e: {  	s7 =	smul.u32 @!p0 $0xF7A, s2;
	p2 =	seq.s32 @!p0 s5, $0x0  }
0x1f: {  	s9 =	smul.u32 $0xF7A, s1;
	s8 =	simm.s32 @!p0 $0x1BF5;
	p2 =	por !p2, p0  }
0x20: {  	[sflag:s8] =	ssyncset.s32 @!p0 $0xFFFFF086;
	s6 =	sadd.s32 @!p0 s3, s7;
	s7 =	simm.s32 @!p0 $0x108  }
0x21: {  	s3 =	sadd.s32 s3, s9;
	s6 =	sadd.s32 @!p0 $0x88, s6;
	s7 =	simm.s32 @p2 $0x1082  }
0x22: {  	[simem:s7], [sflag:s8] =	dma.local @!p0 [hbm:s6], $0xF7A  }
0x23: {  	s9 =	sor.u32 $0xD0000000, s2;
	s6 =	simm.s32 $0x108;
	_ =	swait.ge @!p0 [sflag:s8], $0x0  }
0x24: {  	s3 =	sadd.s32 $0x88, s3;
	s6 =	simm.s32 @!p1 $0x1082;
	[sflag:s4] =	ssyncset.s32 $0xFFFFF086  }
0x25: {  	[simem:s6], [sflag:s4] =	dma.local [hbm:s3], $0xF7A  }
0x26: {  	[smem:$0x3F99] =	sst s1;
	(tag) =	ssettag s2;
	_ =	strace s9  }
0x27: {  	s1 =	sld [smem:$0x3FA9]  }
0x28: {  	s2 =	sld [smem:$0x3FAA]  }
0x29: {  	s4 =	sld [smem:$0x3FAC]  }
0x2a: {  	p0 =	seq.s32 s5, $0x0;
	s5 =	sld [smem:$0x3FAD]  }
0x2b: {  	s6 =	sld [smem:$0x3FAE]  }
0x2c: {  	s7 =	sld [smem:$0x3FAF]  }
0x2d: {  	s3 =	simm.s32 $0x108;
	s8 =	sld [smem:$0x3FB0]  }
0x2e: {  	s3 =	simm.s32 @!p0 $0x1082;
	s9 =	sld [smem:$0x3FB1]  }
0x2f: {  	lr =	sadd.s32 s0, s3;
	s0 =	sld [smem:$0x3FA8]  }
0x30: {  	s3 =	sld [smem:$0x3FAB]  }
0x31: {  	[smem:$0x3FB4] =	sst s10  }
0x32: {  	s10 =	sld [smem:$0x3FB2];
	_ =	sdelay $0x3  }
0x33: {  	p0 =	seq.s32 s10, $0x1;
	s10 =	sld [smem:$0x3FB4];
	_ =	sdelay $0x3  }
0x34: {  	[smem:$0x3FB4] =	sst s10  }
0x35: {  	s10 =	sld [smem:$0x3FB3];
	_ =	sdelay $0x3  }
0x36: {  	p1 =	seq.s32 s10, $0x1;
	s10 =	sld [smem:$0x3FB4];
	_ =	sdelay $0x3  }
0x37: {  	[smem:$0x3FB4] =	sst s10  }
0x38: {  	s10 =	sld [smem:$0x3FB5]  }
0x39: {  	_ = 	snop;
	(pc) =	sbr.ind lr, $3  }
0x3a: {  	_ = 	snop  }
0x3b: {  	_ = 	snop  }
0x3c: {  	p2 =	seq.s32 s10, $0x1;
	s10 =	sld [smem:$0x3FB4]  }
0x3d: {  	_ =	shalt  }
0x3e: {  	_ =	shalt  }
0x3f: {  	_ =	shalt  }
0x40: {  	_ =	shalt  }
0x41: {  	_ =	shalt  }
0x42: {  	_ =	shalt  }
0x43: {  	_ =	shalt  }
0x44: {  	_ =	shalt  }
0x45: {  	_ =	shalt  }
0x46: {  	_ =	shalt  }
0x47: {  	_ =	shalt  }
0x48: {  	_ =	shalt  }
0x49: {  	_ =	shalt  }
0x4a: {  	_ =	shalt  }
0x4b: {  	_ =	shalt  }
0x4c: {  	_ =	shalt  }
0x4d: {  	_ =	shalt  }
0x4e: {  	_ =	shalt  }
0x4f: {  	_ =	shalt  }
0x50: {  	_ =	shalt  }
0x51: {  	_ =	shalt  }
0x52: {  	_ =	shalt  }
0x53: {  	_ =	shalt  }
0x54: {  	_ =	shalt  }
0x55: {  	_ =	shalt  }
0x56: {  	_ =	shalt  }
0x57: {  	_ =	shalt  }
0x58: {  	_ =	shalt  }
0x59: {  	_ =	shalt  }
0x5a: {  	_ =	shalt  }
0x5b: {  	_ =	shalt  }
0x5c: {  	_ =	shalt  }
0x5d: {  	_ =	shalt  }
0x5e: {  	_ =	shalt  }
0x5f: {  	_ =	shalt  }
0x60: {  	_ =	shalt  }
0x61: {  	_ =	shalt  }
0x62: {  	_ =	shalt  }
0x63: {  	_ =	shalt  }
0x64: {  	_ =	shalt  }
0x65: {  	_ =	shalt  }
0x66: {  	_ =	shalt  }
0x67: {  	_ =	shalt  }
0x68: {  	_ =	shalt  }
0x69: {  	_ =	shalt  }
0x6a: {  	_ =	shalt  }
0x6b: {  	_ =	shalt  }
0x6c: {  	_ =	shalt  }
0x6d: {  	_ =	shalt  }
0x6e: {  	_ =	shalt  }
0x6f: {  	_ =	shalt  }
0x70: {  	_ =	shalt  }
0x71: {  	_ =	shalt  }
0x72: {  	_ =	shalt  }
0x73: {  	_ =	shalt  }
0x74: {  	_ =	shalt  }
0x75: {  	_ =	shalt  }
0x76: {  	_ =	shalt  }
0x77: {  	_ =	shalt  }
0x78: {  	_ =	shalt  }
0x79: {  	_ =	shalt  }
0x7a: {  	_ =	shalt  }
0x7b: {  	_ =	shalt  }
0x7c: {  	_ =	shalt  }
0x7d: {  	_ =	shalt  }
0x7e: {  	_ =	shalt  }
0x7f: {  	_ =	shalt  }
0x80: {  	_ =	shalt  }
0x81: {  	_ =	shalt  }
0x82: {  	_ =	shalt  }
0x83: {  	_ =	shalt  }
0x84: {  	_ =	shalt  }
0x85: {  	_ =	shalt  }
0x86: {  	_ =	shalt  }
0x87: {  	_ =	shalt  }
.Lfunc_end0:
.L_simem_size_0:
called_computation.1_lowered:
.L_overlay_start_0:
0x88: {  	s2 =	sld [smem:$0x3FD9]  }
0x89: {  	s3 =	sld [smem:$0x3FFE];
	_ =	sdelay $0x1  }
0x8a: {  	s1 =	srdreg.scid  }
0x8b: {  	s0 =	sand.u32 $0x1, s1  }
0x8c: {  	s17 =	sshll.u32 s0, $0xA;
	s2 =	sadd.s32 s3, s2  }
0x8d: {  	s2 =	sadd.s32 s2, s17  }
0x8e: {  	[smem:$0x3FC0] =	sst s2  }
0x8f: {  	_ = 	snop  }
0x90: {  	s2 =	sld [smem:$0x3FD0];
	(tm) =	ssettm $0x1  }
0x91: {  	s18 =	sld [smem:$0x3FFB];
	_ =	sdelay $0x3  }
0x92: {  	_ =	strace s18  }
0x93: {  	s3 =	sld [smem:$0x3FFC];
	_ =	sdelay $0x3  }
0x94: {  	_ =	strace s3  }
0x95: {  	s3 =	sld [smem:$0x3FFD];
	_ =	sdelay $0x3  }
0x96: {  	_ =	strace s3  }
0x97: {  	_ =	strace $0x8FFFFFFF  }
0x98: {  	s19 =	sld [smem:$0x3FDB];
	_ =	sdelay $0x1  }
0x99: {  	s4 =	simm.s32 $_scs_section_size  }
0x9a: {  	s5 =	simm.s32 $_size__tile_overlayer_lowered;
	s6 =	simm.s32 $_tile_overlayer_lowered  }
0x9b: {  	s22 =	simm.s32 $0x1BFF;
	s21 =	sshll.u32 s6, $0x1;
	s3 =	sadd.s32 s4, s19  }
0x9c: {  	s7 =	simm.s32 $0x0;
	s20 =	sshll.u32 s5, $0x1;
	s5 =	sadd.s32 s21, s3  }
0x9d: {  	[timem:s7], [sflag:s22] =	dma.local [hbm:s5], s20  }
0x9e: {  	_ =	swait.ge [sflag:s22], s20  }
0x9f: {  	s4 =	ssub.s32 $0x0, s20;
	[sflag:s22] =	ssyncset.done $0x0  }
0xa0: {  	[sflag:s22] =	ssyncadd.s32 s4;
	_ =	sdelay $0x1  }
0xa1: {  	s23 =	simm.s32 $0x1B8B  }
0xa2: {  	_ =	swait.ge [sflag:s23], $0x1  }
0xa3: {  	[sflag:s23] =	ssyncset.done $0x0  }
0xa4: {  	s25 =	simm.s32 $0x1B8E;
	s24 =	sld [smem:$0x3FFE];
	[sflag:s23] =	ssyncadd.s32 $0xFFFFFFFF  }
0xa5: {  	s26 =	simm.s32 $execute0_lowered;
	[smem:$0x3FD2] =	sst s25  }
0xa6: {  	s5 =	sshll.u32 s26, $0x1;
	_ =	strace $0x80000049;
	[dreg:$0x1] =	wrdreg $0xFFFFFFFF  }
0xa7: {  	s28 =	simm.s32 $_size_execute0_lowered;
	s3 =	sadd.s32 s3, s5;
	[dreg:$0x0] =	wrdreg $0x0  }
0xa8: {  	s5 =	sshll.u32 s28, $0x1;
	[dreg:$0x2] =	wrdreg s3  }
0xa9: {  	[dreg:$0x3] =	wrdreg s5  }
0xaa: {  	[dreg:$0x4] =	wrdreg $0xC0  }
0xab: {  	_ =	task [dreg:s7], $0x5FFFF  }
0xac: {  	[dreg:$0x1] =	wrdreg $0xFFFFFFFF  }
0xad: {  	[dreg:$0x0] =	wrdreg $0x60  }
0xae: {  	[dreg:$0x2] =	wrdreg s24  }
0xaf: {  	[dreg:$0x3] =	wrdreg s2  }
0xb0: {  	[dreg:$0x4] =	wrdreg $0xA8000  }
0xb1: {  	[dreg:$0x5] =	wrdreg $0x9  }
0xb2: {  	_ =	task.clear_ibuf [dreg:s7], $0x6FFFF;
	_ =	strace $0x90000049  }
0xb3: {  	s29 =	simm.s32 $0x9;
	_ =	strace $0x8000004B  }
0xb4: {  	_ =	swait.ge [sflag:s29], $0x1  }
0xb5: {  	[sflag:s29] =	ssyncadd.s32 $0xFFFFFFFF  }
0xb6: {  	_ =	strace $0x9000004B  }
0xb7: {  	_ =	sfence  }
0xb8: {  	s30 =	sld [smem:$0x0];
	_ =	sdelay $0x2  }
0xb9: {  	s31 =	sshll.u32 s1, $0xD;
	s1 =	sshrl.u32 s1, $0x2  }
0xba: {  	s3 =	sand.u32 $0x4000, s31;
	s1 =	sadd.s32 s1, s30  }
0xbb: {  	s0 =	sor.u32 s3, s0;
	s1 =	sshll.u32 s1, $0x11  }
0xbc: {  	s0 =	sor.u32 s1, s0  }
0xbd: {  	s0 =	sadd.s32 $0x8F2B, s0  }
0xbe: {  	[sflag:s0] =	ssyncadd.remote.s32 $0x1  }
0xbf: {  	_ =	sfence.sel $0xFFFF  }
0xc0: {  	[dreg:$0x0] =	wrdreg $0xFFFFFFFF;
	(pc) =	sbr.abs _section_cstart, $3  }
0xc1: {  	[dreg:$0x1] =	wrdreg $0xFFFFFFFF  }
0xc2: {  	_ =	task.clear_ibuf [dreg:s7], $0x2FFFF;
	_ =	strace $0x9FFFFFFF  }
0xc3: {  	(tm) =	ssettm $0x7FFFFFFF  }
tec
execute0_lowered:
.L_overlay_start_1:
0x0: {  	(tag) =	ssettag $0x1  }
0x1: {  	s6 =	rddreg [dreg:$0x0]  }
0x2: {  	s9 =	rddreg [dreg:$0x1]  }
0x3: {  	s2 =	rddreg [dreg:$0x2]  }
0x4: {  	s0 =	srdreg.scid;
	s1 =	rddreg [dreg:$0x3];
	s3 =	simm.s32 $0x0  }
0x5: {  	s14 =	simm.s32 $0x2800;
	s15 =	simm.s32 $0x1400;
	s16 =	simm.s32 $0x3  }
0x6: {  	s17 =	simm.s32 $0x6800;
	s18 =	simm.s32 $0x1;
	s19 =	simm.s32 $0x2  }
0x7: {  	s20 =	simm.s32 $0x1380;
	s21 =	simm.s32 $0x2700;
	s5 =	sand.u32 $0x1, s0  }
0x8: {  	s22 =	simm.s32 $0x2780;
	s0 =	stileid.u32;
	s7 =	smul.u32 $0x28000, s5  }
0x9: {  	[smem:$0x7FF] =	sst s3;
	s4 =	sadd.s32 $0x5F600, s6;
	s24 =	smul.u32 $0x2800, s0  }
0xa: {  	_ =	strace $0x8000004A;
	s11 =	ssub.s32 $0x2, s5;
	s12 =	smul.u32 $0x50000, s0  }
0xb: {  	s5 =	sadd.s32 $0x2600, s6;
	s30 =	sshrl.u32 s11, $0x1;
	s8 =	sadd.s32 s24, s7  }
0xc: {  	s13 =	sadd.s32 s7, s6;
	s11 =	ssub.s32 s11, s30;
	s31 =	sshrl.u32 s12, $0x2  }
0xd: {  	s10 =	sshrl.u32 s8, $0x3;
	s12 =	sadd.s32 s31, s2;
	s25 =	sadd.s32 $0x86800, s13  }
0xe: {  	s13 =	simm.s32 $0x80;
	s8 =	sadd.s32 s10, s6;
	s6 =	sshll.u32 s0, $0x6  }
0xf: {  	s9 =	sadd.s32 s9, s10;
	s10 =	smax.u32 s11, $0x1;
	s11 =	sshrl.u32 s12, $0x3  }
0x10: {  	s12 =	simm.s32 $0x4;
	s24 =	sadd.s32 s24, s25;
	s8 =	sadd.s32 $0x55600, s8  }
0x11: {  	s25 =	simm.s32 $0x0;
	s7 =	sor.u32 $0x1C03, s6;
	s23 =	sadd.s32 $0x280, s8  }
.LBB2_1:
0x12: {  	[spmem:s11], [sflag:s7] =	dma.local [hbm:s5], $0x2800  }
0x13: {  	[tilespmem:s3], [sflag:$0x4] =	stream.linear.gather [hbm4b:s8+s3], $0x1400, $0x38;
	[tilespmem:$0x1E800] =	vst v63  }
0x14: {  	_ =	swait.ge [sflag:s12], $0x1400  }
0x15: {  	[sflag:s12] =	ssyncset.done $0x0  }
0x16: {  	[sflag:s12] =	ssyncadd.s32 $0xFFFFEC00  }
0x17: {  	[tilespmem:s14], [sflag:$0x1] =	stream.indirect.gather [hbm4b:s4+s13], $0x80, s3, s13, $0xb8;
	[tilespmem:$0x1E800] =	vst v63  }
0x18: {  	_ = 	snop  }
0x19: {  	[tilespmem:s15], [sflag:$0x4] =	stream.linear.gather [hbm4b:s9+s3], $0x1400, $0x38;
	[tilespmem:$0x1E800] =	vst v63  }
0x1a: {  	_ =	swait.ge [sflag:s12], $0x1400  }
0x1b: {  	[sflag:s12] =	ssyncset.done $0x0  }
0x1c: {  	[sflag:s12] =	ssyncadd.s32 $0xFFFFEC00  }
0x1d: {  	_ =	swait.ge [sflag:s16], $0x2800  }
0x1e: {  	[sflag:s16] =	ssyncset.done $0x0  }
0x1f: {  	[sflag:s16] =	ssyncadd.s32 $0xFFFFD800  }
0x20: {  	s26 =	simm.s32 $0x80;
	[bflag:$0x0] =	sbarrier.arrive $0xFFFF  }
0x21: {  	[tilespmem:s17], [sflag:$0x2] =	stream.indirect.gather [hbm4b:s4+s13], $0x80, s26, s13, $0xb8;
	[tilespmem:$0x1E800] =	vst v63  }
0x22: {  	_ =	swait.ge [sflag:s18], $0x4000  }
0x23: {  	[sflag:s18] =	ssyncset.done $0x0  }
0x24: {  	s29 =	simm.s32 $0x1400;
	[sflag:s18] =	ssyncadd.s32 $0xFFFFC000  }
0x25: {  	[spmem:s2] =	stream.indirect.scatter.add.f32 [tilespmem:s14], [sflag:$0x4], $0x80, s29, s13, $0xb8;
	[tilespmem:$0x1E800] =	vst v63  }
0x26: {  	_ =	swait.ge [sflag:s12], $0x4000  }
0x27: {  	[sflag:s12] =	ssyncset.done $0x0  }
0x28: {  	s30 =	simm.s32 $0x100;
	[sflag:s12] =	ssyncadd.s32 $0xFFFFC000  }
0x29: {  	[tilespmem:s14], [sflag:$0x1] =	stream.indirect.gather [hbm4b:s4+s13], $0x80, s30, s13, $0xb8;
	[tilespmem:$0x1E800] =	vst v63  }
0x2a: {  	_ =	swait.ge [sflag:s19], $0x4000  }
0x2b: {  	[sflag:s19] =	ssyncset.done $0x0  }
0x2c: {  	s31 =	simm.s32 $0x1480;
	[sflag:s19] =	ssyncadd.s32 $0xFFFFC000  }
0x2d: {  	[spmem:s2] =	stream.indirect.scatter.add.f32 [tilespmem:s17], [sflag:$0x4], $0x80, s31, s13, $0xb8;
	[tilespmem:$0x1E800] =	vst v63  }
0x2e: {  	_ =	swait.ge [sflag:s12], $0x4000  }
0x2f: {  	s28 =	simm.s32 $0x800;
	s26 =	simm.s32 $0x100;
	[sflag:s12] =	ssyncset.done $0x0  }
.LBB2_2:
0x30: {  	s29 =	sadd.s32 $0x80, s26  }
0x31: {  	[sflag:s12] =	ssyncadd.s32 $0xFFFFC000;
	s30 =	smov.u32 s28;
	s31 =	sadd.s32 $0x400, s28  }
0x32: {  	[tilespmem:s17], [sflag:$0x2] =	stream.indirect.gather [hbm4b:s4+s13], $0x80, s29, s13, $0xb8;
	[tilespmem:$0x1E800] =	vst v63  }
0x33: {  	p0 =	sne.s32 s28, $0x4800;
	_ =	swait.ge [sflag:s18], $0x4000  }
0x34: {  	[sflag:s18] =	ssyncset.done $0x0  }
0x35: {  	s28 =	sadd.s32 $0x1400, s26;
	[sflag:s18] =	ssyncadd.s32 $0xFFFFC000  }
0x36: {  	[spmem:s2] =	stream.indirect.scatter.add.f32 [tilespmem:s14], [sflag:$0x4], $0x80, s28, s13, $0xb8;
	[tilespmem:$0x1E800] =	vst v63  }
0x37: {  	_ =	swait.ge [sflag:s12], $0x4000  }
0x38: {  	[sflag:s12] =	ssyncset.done $0x0  }
0x39: {  	s28 =	sadd.s32 $0x100, s26;
	[sflag:s12] =	ssyncadd.s32 $0xFFFFC000  }
0x3a: {  	[tilespmem:s14], [sflag:$0x1] =	stream.indirect.gather [hbm4b:s4+s13], $0x80, s28, s13, $0xb8;
	[tilespmem:$0x1E800] =	vst v63  }
0x3b: {  	_ =	swait.ge [sflag:s19], $0x4000  }
.Ltmp0:
0x3c: {  	[sflag:s19] =	ssyncset.done $0x0;
	(pc) =	sbr.rel @p0 .LBB2_2-.Ltmp0, $4  }
0x3d: {  	s26 =	sadd.s32 $0x1480, s26;
	[sflag:s19] =	ssyncadd.s32 $0xFFFFC000  }
0x3e: {  	[spmem:s2] =	stream.indirect.scatter.add.f32 [tilespmem:s17], [sflag:$0x4], $0x80, s26, s13, $0xb8;
	[tilespmem:$0x1E800] =	vst v63  }
0x3f: {  	_ =	swait.ge [sflag:s12], $0x4000  }
0x40: {  	s28 =	smov.u32 s31;
	s26 =	sshra.s32 s30, $0x2;
	[sflag:s12] =	ssyncset.done $0x0  }
0x41: {  	s28 =	sadd.s32 $0x80, s26;
	[sflag:s12] =	ssyncadd.s32 $0xFFFFC000  }
0x42: {  	[tilespmem:s17], [sflag:$0x2] =	stream.indirect.gather [hbm4b:s4+s13], $0x80, s28, s13, $0xb8;
	[tilespmem:$0x1E800] =	vst v63  }
0x43: {  	_ =	swait.ge [sflag:s18], $0x4000  }
0x44: {  	[sflag:s18] =	ssyncset.done $0x0  }
0x45: {  	s28 =	sadd.s32 $0x1400, s26;
	[sflag:s18] =	ssyncadd.s32 $0xFFFFC000  }
0x46: {  	[spmem:s2] =	stream.indirect.scatter.add.f32 [tilespmem:s14], [sflag:$0x4], $0x80, s28, s13, $0xb8;
	[tilespmem:$0x1E800] =	vst v63  }
0x47: {  	_ =	swait.ge [sflag:s12], $0x4000  }
0x48: {  	[sflag:s12] =	ssyncset.done $0x0  }
0x49: {  	s28 =	sadd.s32 $0x100, s26;
	[sflag:s12] =	ssyncadd.s32 $0xFFFFC000  }
0x4a: {  	[tilespmem:s14], [sflag:$0x1] =	stream.indirect.gather [hbm4b:s4+s13], $0x80, s28, s13, $0xb8;
	[tilespmem:$0x1E800] =	vst v63  }
0x4b: {  	_ =	swait.ge [sflag:s19], $0x4000  }
0x4c: {  	[sflag:s19] =	ssyncset.done $0x0  }
0x4d: {  	s29 =	sadd.s32 $0x1480, s26;
	[sflag:s19] =	ssyncadd.s32 $0xFFFFC000  }
0x4e: {  	[spmem:s2] =	stream.indirect.scatter.add.f32 [tilespmem:s17], [sflag:$0x4], $0x80, s29, s13, $0xb8;
	[tilespmem:$0x1E800] =	vst v63  }
0x4f: {  	_ =	swait.ge [sflag:s12], $0x4000  }
0x50: {  	[sflag:s12] =	ssyncset.done $0x0  }
0x51: {  	[sflag:s12] =	ssyncadd.s32 $0xFFFFC000  }
0x52: {  	[tilespmem:s17], [sflag:$0x2] =	stream.indirect.gather [hbm4b:s4+s13], $0x80, s20, s13, $0xb8;
	[tilespmem:$0x1E800] =	vst v63  }
0x53: {  	_ =	swait.ge [sflag:s18], $0x4000  }
0x54: {  	[sflag:s18] =	ssyncset.done $0x0  }
0x55: {  	[sflag:s18] =	ssyncadd.s32 $0xFFFFC000  }
0x56: {  	[spmem:s2] =	stream.indirect.scatter.add.f32 [tilespmem:s14], [sflag:$0x4], $0x80, s21, s13, $0xb8;
	[tilespmem:$0x1E800] =	vst v63  }
0x57: {  	_ =	swait.ge [sflag:s12], $0x4000  }
0x58: {  	[sflag:s12] =	ssyncset.done $0x0  }
0x59: {  	[sflag:s12] =	ssyncadd.s32 $0xFFFFC000  }
0x5a: {  	_ =	swait.ge [sflag:s19], $0x4000  }
0x5b: {  	[sflag:s19] =	ssyncset.done $0x0  }
0x5c: {  	[sflag:s19] =	ssyncadd.s32 $0xFFFFC000  }
0x5d: {  	[spmem:s2] =	stream.indirect.scatter.add.f32 [tilespmem:s17], [sflag:$0x4], $0x80, s22, s13, $0xb8;
	[tilespmem:$0x1E800] =	vst v63  }
0x5e: {  	_ =	swait.ge [sflag:s12], $0x4000  }
0x5f: {  	[sflag:s12] =	ssyncset.done $0x0  }
0x60: {  	s30 =	simm.s32 $0x0;
	[sflag:s12] =	ssyncadd.s32 $0xFFFFC000  }
0x61: {  	[tilespmem:s30], [sflag:$0x4] =	stream.linear.gather [hbm4b:s23+s30], $0x1400, $0x38;
	[tilespmem:$0x1E800] =	vst v63  }
0x62: {  	_ =	swait.ge [sflag:s12], $0x1400  }
0x63: {  	[sflag:s12] =	ssyncset.done $0x0  }
0x64: {  	[sflag:s12] =	ssyncadd.s32 $0xFFFFEC00  }
0x65: {  	[tilespmem:s14], [sflag:$0x1] =	stream.indirect.gather [hbm4b:s4+s13], $0x80, s30, s13, $0xb8;
	[tilespmem:$0x1E800] =	vst v63  }
0x66: {  	s28 =	sadd.s32 $0x280, s9  }
0x67: {  	[tilespmem:s15], [sflag:$0x4] =	stream.linear.gather [hbm4b:s28+s30], $0x1400, $0x38;
	[tilespmem:$0x1E800] =	vst v63  }
0x68: {  	_ =	swait.ge [sflag:s12], $0x1400  }
0x69: {  	[sflag:s12] =	ssyncset.done $0x0  }
0x6a: {  	s31 =	simm.s32 $0x80;
	[sflag:s12] =	ssyncadd.s32 $0xFFFFEC00  }
0x6b: {  	[tilespmem:s17], [sflag:$0x2] =	stream.indirect.gather [hbm4b:s4+s13], $0x80, s31, s13, $0xb8;
	[tilespmem:$0x1E800] =	vst v63  }
0x6c: {  	_ =	swait.ge [sflag:s18], $0x4000  }
0x6d: {  	[sflag:s18] =	ssyncset.done $0x0  }
0x6e: {  	s29 =	simm.s32 $0x1400;
	[sflag:s18] =	ssyncadd.s32 $0xFFFFC000  }
0x6f: {  	[spmem:s2] =	stream.indirect.scatter.add.f32 [tilespmem:s14], [sflag:$0x4], $0x80, s29, s13, $0xb8;
	[tilespmem:$0x1E800] =	vst v63  }
0x70: {  	_ =	swait.ge [sflag:s12], $0x4000  }
0x71: {  	[sflag:s12] =	ssyncset.done $0x0  }
0x72: {  	s30 =	simm.s32 $0x100;
	[sflag:s12] =	ssyncadd.s32 $0xFFFFC000  }
0x73: {  	[tilespmem:s14], [sflag:$0x1] =	stream.indirect.gather [hbm4b:s4+s13], $0x80, s30, s13, $0xb8;
	[tilespmem:$0x1E800] =	vst v63  }
0x74: {  	_ =	swait.ge [sflag:s19], $0x4000  }
0x75: {  	[sflag:s19] =	ssyncset.done $0x0  }
0x76: {  	s31 =	simm.s32 $0x1480;
	[sflag:s19] =	ssyncadd.s32 $0xFFFFC000  }
0x77: {  	[spmem:s2] =	stream.indirect.scatter.add.f32 [tilespmem:s17], [sflag:$0x4], $0x80, s31, s13, $0xb8;
	[tilespmem:$0x1E800] =	vst v63  }
0x78: {  	_ =	swait.ge [sflag:s12], $0x4000  }
0x79: {  	s26 =	simm.s32 $0x100;
	s28 =	simm.s32 $0x800;
	[sflag:s12] =	ssyncset.done $0x0  }
.LBB2_4:
0x7a: {  	s29 =	sadd.s32 $0x80, s26  }
0x7b: {  	[sflag:s12] =	ssyncadd.s32 $0xFFFFC000;
	s30 =	smov.u32 s28;
	s31 =	sadd.s32 $0x400, s28  }
0x7c: {  	[tilespmem:s17], [sflag:$0x2] =	stream.indirect.gather [hbm4b:s4+s13], $0x80, s29, s13, $0xb8;
	[tilespmem:$0x1E800] =	vst v63  }
0x7d: {  	p0 =	sne.s32 s28, $0x4800;
	_ =	swait.ge [sflag:s18], $0x4000  }
0x7e: {  	[sflag:s18] =	ssyncset.done $0x0  }
0x7f: {  	s28 =	sadd.s32 $0x1400, s26;
	[sflag:s18] =	ssyncadd.s32 $0xFFFFC000  }
0x80: {  	[spmem:s2] =	stream.indirect.scatter.add.f32 [tilespmem:s14], [sflag:$0x4], $0x80, s28, s13, $0xb8;
	[tilespmem:$0x1E800] =	vst v63  }
0x81: {  	_ =	swait.ge [sflag:s12], $0x4000  }
0x82: {  	[sflag:s12] =	ssyncset.done $0x0  }
0x83: {  	s28 =	sadd.s32 $0x100, s26;
	[sflag:s12] =	ssyncadd.s32 $0xFFFFC000  }
0x84: {  	[tilespmem:s14], [sflag:$0x1] =	stream.indirect.gather [hbm4b:s4+s13], $0x80, s28, s13, $0xb8;
	[tilespmem:$0x1E800] =	vst v63  }
0x85: {  	_ =	swait.ge [sflag:s19], $0x4000  }
.Ltmp1:
0x86: {  	[sflag:s19] =	ssyncset.done $0x0;
	(pc) =	sbr.rel @p0 .LBB2_4-.Ltmp1, $4  }
0x87: {  	s26 =	sadd.s32 $0x1480, s26;
	[sflag:s19] =	ssyncadd.s32 $0xFFFFC000  }
0x88: {  	[spmem:s2] =	stream.indirect.scatter.add.f32 [tilespmem:s17], [sflag:$0x4], $0x80, s26, s13, $0xb8;
	[tilespmem:$0x1E800] =	vst v63  }
0x89: {  	_ =	swait.ge [sflag:s12], $0x4000  }
0x8a: {  	s28 =	smov.u32 s31;
	s26 =	sshra.s32 s30, $0x2;
	[sflag:s12] =	ssyncset.done $0x0  }
0x8b: {  	s28 =	sadd.s32 $0x80, s26;
	[sflag:s12] =	ssyncadd.s32 $0xFFFFC000  }
0x8c: {  	[tilespmem:s17], [sflag:$0x2] =	stream.indirect.gather [hbm4b:s4+s13], $0x80, s28, s13, $0xb8;
	[tilespmem:$0x1E800] =	vst v63  }
0x8d: {  	_ =	swait.ge [sflag:s18], $0x4000  }
0x8e: {  	[sflag:s18] =	ssyncset.done $0x0  }
0x8f: {  	s31 =	sadd.s32 $0x1400, s26;
	[sflag:s18] =	ssyncadd.s32 $0xFFFFC000  }
0x90: {  	[spmem:s2] =	stream.indirect.scatter.add.f32 [tilespmem:s14], [sflag:$0x4], $0x80, s31, s13, $0xb8;
	[tilespmem:$0x1E800] =	vst v63  }
0x91: {  	_ =	swait.ge [sflag:s12], $0x4000  }
0x92: {  	[sflag:s12] =	ssyncset.done $0x0  }
0x93: {  	s29 =	sadd.s32 $0x100, s26;
	[sflag:s12] =	ssyncadd.s32 $0xFFFFC000  }
0x94: {  	[tilespmem:s14], [sflag:$0x1] =	stream.indirect.gather [hbm4b:s4+s13], $0x80, s29, s13, $0xb8;
	[tilespmem:$0x1E800] =	vst v63  }
0x95: {  	_ =	swait.ge [sflag:s19], $0x4000  }
0x96: {  	[sflag:s19] =	ssyncset.done $0x0  }
0x97: {  	s30 =	sadd.s32 $0x1480, s26;
	[sflag:s19] =	ssyncadd.s32 $0xFFFFC000  }
0x98: {  	[spmem:s2] =	stream.indirect.scatter.add.f32 [tilespmem:s17], [sflag:$0x4], $0x80, s30, s13, $0xb8;
	[tilespmem:$0x1E800] =	vst v63  }
0x99: {  	_ =	swait.ge [sflag:s12], $0x4000  }
0x9a: {  	[sflag:s12] =	ssyncset.done $0x0  }
0x9b: {  	[sflag:s12] =	ssyncadd.s32 $0xFFFFC000  }
0x9c: {  	[tilespmem:s17], [sflag:$0x2] =	stream.indirect.gather [hbm4b:s4+s13], $0x80, s20, s13, $0xb8;
	[tilespmem:$0x1E800] =	vst v63  }
0x9d: {  	_ =	swait.ge [sflag:s18], $0x4000  }
0x9e: {  	[sflag:s18] =	ssyncset.done $0x0  }
0x9f: {  	[sflag:s18] =	ssyncadd.s32 $0xFFFFC000  }
0xa0: {  	[spmem:s2] =	stream.indirect.scatter.add.f32 [tilespmem:s14], [sflag:$0x4], $0x80, s21, s13, $0xb8;
	[tilespmem:$0x1E800] =	vst v63  }
0xa1: {  	_ =	swait.ge [sflag:s12], $0x4000  }
0xa2: {  	[sflag:s12] =	ssyncset.done $0x0  }
0xa3: {  	[sflag:s12] =	ssyncadd.s32 $0xFFFFC000  }
0xa4: {  	_ =	swait.ge [sflag:s19], $0x4000  }
0xa5: {  	[sflag:s19] =	ssyncset.done $0x0  }
0xa6: {  	[sflag:s19] =	ssyncadd.s32 $0xFFFFC000  }
0xa7: {  	[spmem:s2] =	stream.indirect.scatter.add.f32 [tilespmem:s17], [sflag:$0x4], $0x80, s22, s13, $0xb8;
	[tilespmem:$0x1E800] =	vst v63  }
0xa8: {  	_ =	swait.ge [sflag:s12], $0x4000  }
0xa9: {  	s25 =	sadd.s32 $0x1, s25;
	[sflag:s12] =	ssyncset.done $0x0  }
0xaa: {  	p0 =	sne.s32 s25, s10;
	[sflag:s12] =	ssyncadd.s32 $0xFFFFC000  }
.Ltmp2:
0xab: {  	s31 =	sor.u32 $0x1C04, s6;
	[bflag:$0x0] =	sbarrier.arrive $0xFFFF;
	(pc) =	sbr.rel @p0 .LBB2_1-.Ltmp2, $4  }
0xac: {  	[hbm:s24], [sflag:s31] =	dma.local [spmem:s11], $0x2800  }
0xad: {  	_ =	swait.ge [sflag:s12], $0x2800  }
0xae: {  	[sflag:s12] =	ssyncset.done $0x0  }
0xaf: {  	[sflag:s12] =	ssyncadd.s32 $0xFFFFD800  }
0xb0: {  	_ =	sfence.sel $0x180000  }
0xb1: {  	[bflag:$0x0] =	sbarrier.arrive $0xFFFF  }
0xb2: {  	p0 =	sne.s32 s0, $0x0;
	_ =	strace $0x9000004A  }
0xb3: {  	s0 =	sadd.s32 @!p0 $0x100000, s1;
	[bflag:$0x2] =	sbarrier.arrive $0xFFFF  }
0xb4: {  	[sflag:s0] =	ssyncadd.tile.s32 @!p0 $0x1;
	_ =	shalt  }
.Lfunc_end2:
_tile_overlayer_lowered:
.L_overlay_start_2:
0xb5: {  	(tag) =	ssettag $0x2  }
0xb6: {  	s0 =	rddreg [dreg:$0x0];
	s2 =	stileid.u32  }
0xb7: {  	s1 =	rddreg [dreg:$0x1];
	p0 =	sne.s32 s2, $0x0  }
0xb8: {  	s3 =	rddreg [dreg:$0x2];
	[bflag:$0x3] =	sbarrier.arrive $0xFFFF;
	s2 =	simm.s32 @!p0 $0x1C04  }
0xb9: {  	[timem:s3], [sflag:s2] =	dma.local @!p0 [hbm:s0], s1  }
0xba: {  	s0 =	simm.s32 @!p0 $0x4  }
0xbb: {  	_ =	swait.ge @!p0 [sflag:s0], s1  }
0xbc: {  	s1 =	ssub.s32 @!p0 $0x0, s1;
	[sflag:s0] =	ssyncset.done @!p0 $0x0  }
0xbd: {  	[sflag:s0] =	ssyncadd.s32 @!p0 s1  }
0xbe: {  	[bflag:$0x3] =	sbarrier.arrive $0xFFFF  }
0xbf: {  	_ =	shalt  }

// kernel: kernel.15.cloned.1.call-start
scs
__scs_entry_jumppad:
0x0: {  	(pc) =	sbr.rel $0x88, $3  }
0x1: {  	(tag) =	ssettag $0x0;
	lr =	simm.s32 $0x1  }
0x2: {  	[smem:$0x3F99] =	sst lr;
	_ =	strace $0xD0000000  }
0x3: {  	_ = 	snop  }
0x4: {  	_ = 	snop  }
0x5: {  	_ = 	snop  }
0x6: {  	_ = 	snop  }
0x7: {  	_ = 	snop  }
__scs_overlays_trampoline_lowered:
0x8: {  	[smem:$0x3FA8] =	sst s0  }
0x9: {  	[smem:$0x3FA9] =	sst s1  }
0xa: {  	[smem:$0x3FAA] =	sst s2  }
0xb: {  	[smem:$0x3FAB] =	sst s3  }
0xc: {  	[smem:$0x3FAC] =	sst s4  }
0xd: {  	[smem:$0x3FAD] =	sst s5  }
0xe: {  	[smem:$0x3FAE] =	sst s6  }
0xf: {  	[smem:$0x3FAF] =	sst s7  }
0x10: {  	[smem:$0x3FB0] =	sst s8  }
0x11: {  	[smem:$0x3FB1] =	sst s9;
	s0 =	simm.s32 @!p0 $0x0  }
0x12: {  	s1 =	sld [smem:$0x3F97];
	s0 =	simm.s32 @p0 $0x1  }
0x13: {  	[smem:$0x3FB2] =	sst s0;
	s0 =	simm.s32 @!p1 $0x0  }
0x14: {  	s2 =	sld [smem:$0x3F96];
	s0 =	simm.s32 @p1 $0x1  }
0x15: {  	[smem:$0x3FB3] =	sst s0;
	s0 =	simm.s32 @!p2 $0x0  }
0x16: {  	s3 =	sld [smem:$0x3FDB];
	s0 =	simm.s32 @p2 $0x1  }
0x17: {  	s4 =	simm.s32 $0x1BF5;
	[smem:$0x3FB5] =	sst s0  }
0x18: {  	s0 =	sld [smem:$0x3F98];
	_ =	swait.ge [sflag:s4], $0x0  }
0x19: {  	s7 =	sld [smem:$0x3F99]  }
0x1a: {  	s8 =	sadd.s32 $0xFFFFE003, lr  }
0x1b: {  	s9 =	sadd.s32 $0xFFFFFEF7, lr;
	s5 =	simm.s32 $0xFFFFFFFF;
	p2 =	slt.u32 s8, $0xFFFFF086  }
0x1c: {  	p1 =	slt.u32 s9, $0xF7A;
	s5 =	simm.s32 @!p2 $0x0  }
0x1d: {  	s5 =	simm.s32 @p1 $0x1;
	p0 =	seq.s32 s7, s2  }
0x1e: {  	s7 =	smul.u32 @!p0 $0xF7A, s2;
	p2 =	seq.s32 @!p0 s5, $0x0  }
0x1f: {  	s9 =	smul.u32 $0xF7A, s1;
	s8 =	simm.s32 @!p0 $0x1BF5;
	p2 =	por !p2, p0  }
0x20: {  	[sflag:s8] =	ssyncset.s32 @!p0 $0xFFFFF086;
	s6 =	sadd.s32 @!p0 s3, s7;
	s7 =	simm.s32 @!p0 $0x108  }
0x21: {  	s3 =	sadd.s32 s3, s9;
	s6 =	sadd.s32 @!p0 $0x88, s6;
	s7 =	simm.s32 @p2 $0x1082  }
0x22: {  	[simem:s7], [sflag:s8] =	dma.local @!p0 [hbm:s6], $0xF7A  }
0x23: {  	s9 =	sor.u32 $0xD0000000, s2;
	s6 =	simm.s32 $0x108;
	_ =	swait.ge @!p0 [sflag:s8], $0x0  }
0x24: {  	s3 =	sadd.s32 $0x88, s3;
	s6 =	simm.s32 @!p1 $0x1082;
	[sflag:s4] =	ssyncset.s32 $0xFFFFF086  }
0x25: {  	[simem:s6], [sflag:s4] =	dma.local [hbm:s3], $0xF7A  }
0x26: {  	[smem:$0x3F99] =	sst s1;
	(tag) =	ssettag s2;
	_ =	strace s9  }
0x27: {  	s1 =	sld [smem:$0x3FA9]  }
0x28: {  	s2 =	sld [smem:$0x3FAA]  }
0x29: {  	s4 =	sld [smem:$0x3FAC]  }
0x2a: {  	p0 =	seq.s32 s5, $0x0;
	s5 =	sld [smem:$0x3FAD]  }
0x2b: {  	s6 =	sld [smem:$0x3FAE]  }
0x2c: {  	s7 =	sld [smem:$0x3FAF]  }
0x2d: {  	s3 =	simm.s32 $0x108;
	s8 =	sld [smem:$0x3FB0]  }
0x2e: {  	s3 =	simm.s32 @!p0 $0x1082;
	s9 =	sld [smem:$0x3FB1]  }
0x2f: {  	lr =	sadd.s32 s0, s3;
	s0 =	sld [smem:$0x3FA8]  }
0x30: {  	s3 =	sld [smem:$0x3FAB]  }
0x31: {  	[smem:$0x3FB4] =	sst s10  }
0x32: {  	s10 =	sld [smem:$0x3FB2];
	_ =	sdelay $0x3  }
0x33: {  	p0 =	seq.s32 s10, $0x1;
	s10 =	sld [smem:$0x3FB4];
	_ =	sdelay $0x3  }
0x34: {  	[smem:$0x3FB4] =	sst s10  }
0x35: {  	s10 =	sld [smem:$0x3FB3];
	_ =	sdelay $0x3  }
0x36: {  	p1 =	seq.s32 s10, $0x1;
	s10 =	sld [smem:$0x3FB4];
	_ =	sdelay $0x3  }
0x37: {  	[smem:$0x3FB4] =	sst s10  }
0x38: {  	s10 =	sld [smem:$0x3FB5]  }
0x39: {  	_ = 	snop;
	(pc) =	sbr.ind lr, $3  }
0x3a: {  	_ = 	snop  }
0x3b: {  	_ = 	snop  }
0x3c: {  	p2 =	seq.s32 s10, $0x1;
	s10 =	sld [smem:$0x3FB4]  }
0x3d: {  	_ =	shalt  }
0x3e: {  	_ =	shalt  }
0x3f: {  	_ =	shalt  }
0x40: {  	_ =	shalt  }
0x41: {  	_ =	shalt  }
0x42: {  	_ =	shalt  }
0x43: {  	_ =	shalt  }
0x44: {  	_ =	shalt  }
0x45: {  	_ =	shalt  }
0x46: {  	_ =	shalt  }
0x47: {  	_ =	shalt  }
0x48: {  	_ =	shalt  }
0x49: {  	_ =	shalt  }
0x4a: {  	_ =	shalt  }
0x4b: {  	_ =	shalt  }
0x4c: {  	_ =	shalt  }
0x4d: {  	_ =	shalt  }
0x4e: {  	_ =	shalt  }
0x4f: {  	_ =	shalt  }
0x50: {  	_ =	shalt  }
0x51: {  	_ =	shalt  }
0x52: {  	_ =	shalt  }
0x53: {  	_ =	shalt  }
0x54: {  	_ =	shalt  }
0x55: {  	_ =	shalt  }
0x56: {  	_ =	shalt  }
0x57: {  	_ =	shalt  }
0x58: {  	_ =	shalt  }
0x59: {  	_ =	shalt  }
0x5a: {  	_ =	shalt  }
0x5b: {  	_ =	shalt  }
0x5c: {  	_ =	shalt  }
0x5d: {  	_ =	shalt  }
0x5e: {  	_ =	shalt  }
0x5f: {  	_ =	shalt  }
0x60: {  	_ =	shalt  }
0x61: {  	_ =	shalt  }
0x62: {  	_ =	shalt  }
0x63: {  	_ =	shalt  }
0x64: {  	_ =	shalt  }
0x65: {  	_ =	shalt  }
0x66: {  	_ =	shalt  }
0x67: {  	_ =	shalt  }
0x68: {  	_ =	shalt  }
0x69: {  	_ =	shalt  }
0x6a: {  	_ =	shalt  }
0x6b: {  	_ =	shalt  }
0x6c: {  	_ =	shalt  }
0x6d: {  	_ =	shalt  }
0x6e: {  	_ =	shalt  }
0x6f: {  	_ =	shalt  }
0x70: {  	_ =	shalt  }
0x71: {  	_ =	shalt  }
0x72: {  	_ =	shalt  }
0x73: {  	_ =	shalt  }
0x74: {  	_ =	shalt  }
0x75: {  	_ =	shalt  }
0x76: {  	_ =	shalt  }
0x77: {  	_ =	shalt  }
0x78: {  	_ =	shalt  }
0x79: {  	_ =	shalt  }
0x7a: {  	_ =	shalt  }
0x7b: {  	_ =	shalt  }
0x7c: {  	_ =	shalt  }
0x7d: {  	_ =	shalt  }
0x7e: {  	_ =	shalt  }
0x7f: {  	_ =	shalt  }
0x80: {  	_ =	shalt  }
0x81: {  	_ =	shalt  }
0x82: {  	_ =	shalt  }
0x83: {  	_ =	shalt  }
0x84: {  	_ =	shalt  }
0x85: {  	_ =	shalt  }
0x86: {  	_ =	shalt  }
0x87: {  	_ =	shalt  }
.Lfunc_end0:
.L_simem_size_0:
called_computation.2_lowered:
.L_overlay_start_0:
0x88: {  	s2 =	sld [smem:$0x3FD9]  }
0x89: {  	s3 =	sld [smem:$0x3FFE];
	_ =	sdelay $0x1  }
0x8a: {  	s1 =	srdreg.scid  }
0x8b: {  	s0 =	sand.u32 $0x1, s1  }
0x8c: {  	s17 =	sshll.u32 s0, $0xA;
	s2 =	sadd.s32 s3, s2  }
0x8d: {  	s2 =	sadd.s32 s2, s17  }
0x8e: {  	[smem:$0x3FC0] =	sst s2  }
0x8f: {  	_ = 	snop  }
0x90: {  	s2 =	sld [smem:$0x3FD0];
	(tm) =	ssettm $0x1  }
0x91: {  	s18 =	sld [smem:$0x3FFB];
	_ =	sdelay $0x3  }
0x92: {  	_ =	strace s18  }
0x93: {  	s3 =	sld [smem:$0x3FFC];
	_ =	sdelay $0x3  }
0x94: {  	_ =	strace s3  }
0x95: {  	s3 =	sld [smem:$0x3FFD];
	_ =	sdelay $0x3  }
0x96: {  	_ =	strace s3  }
0x97: {  	_ =	strace $0x8FFFFFFF  }
0x98: {  	s19 =	sld [smem:$0x3FDB];
	_ =	sdelay $0x1  }
0x99: {  	s4 =	simm.s32 $_scs_section_size  }
0x9a: {  	s5 =	simm.s32 $_size__tile_overlayer_lowered;
	s6 =	simm.s32 $_tile_overlayer_lowered  }
0x9b: {  	s22 =	simm.s32 $0x1BFF;
	s21 =	sshll.u32 s6, $0x1;
	s3 =	sadd.s32 s4, s19  }
0x9c: {  	s7 =	simm.s32 $0x0;
	s20 =	sshll.u32 s5, $0x1;
	s5 =	sadd.s32 s21, s3  }
0x9d: {  	[timem:s7], [sflag:s22] =	dma.local [hbm:s5], s20  }
0x9e: {  	_ =	swait.ge [sflag:s22], s20  }
0x9f: {  	s4 =	ssub.s32 $0x0, s20;
	[sflag:s22] =	ssyncset.done $0x0  }
0xa0: {  	[sflag:s22] =	ssyncadd.s32 s4;
	_ =	sdelay $0x1  }
0xa1: {  	s23 =	simm.s32 $0x1B8B  }
0xa2: {  	_ =	swait.ge [sflag:s23], $0x1  }
0xa3: {  	[sflag:s23] =	ssyncset.done $0x0  }
0xa4: {  	s25 =	simm.s32 $0x1B8E;
	s24 =	sld [smem:$0x3FFE];
	[sflag:s23] =	ssyncadd.s32 $0xFFFFFFFF  }
0xa5: {  	s26 =	simm.s32 $execute0_lowered;
	[smem:$0x3FD2] =	sst s25  }
0xa6: {  	s5 =	sshll.u32 s26, $0x1;
	_ =	strace $0x8000004C;
	[dreg:$0x1] =	wrdreg $0xFFFFFFFF  }
0xa7: {  	s28 =	simm.s32 $_size_execute0_lowered;
	s3 =	sadd.s32 s3, s5;
	[dreg:$0x0] =	wrdreg $0x0  }
0xa8: {  	s5 =	sshll.u32 s28, $0x1;
	[dreg:$0x2] =	wrdreg s3  }
0xa9: {  	[dreg:$0x3] =	wrdreg s5  }
0xaa: {  	[dreg:$0x4] =	wrdreg $0xC0  }
0xab: {  	_ =	task [dreg:s7], $0x5FFFF  }
0xac: {  	[dreg:$0x1] =	wrdreg $0xFFFFFFFF  }
0xad: {  	[dreg:$0x0] =	wrdreg $0x60  }
0xae: {  	[dreg:$0x2] =	wrdreg s24  }
0xaf: {  	[dreg:$0x3] =	wrdreg s2  }
0xb0: {  	[dreg:$0x4] =	wrdreg $0xA8000  }
0xb1: {  	[dreg:$0x5] =	wrdreg $0x9  }
0xb2: {  	_ =	task.clear_ibuf [dreg:s7], $0x6FFFF;
	_ =	strace $0x9000004C  }
0xb3: {  	s29 =	simm.s32 $0x9;
	_ =	strace $0x8000004E  }
0xb4: {  	_ =	swait.ge [sflag:s29], $0x1  }
0xb5: {  	[sflag:s29] =	ssyncadd.s32 $0xFFFFFFFF  }
0xb6: {  	_ =	strace $0x9000004E  }
0xb7: {  	_ =	sfence  }
0xb8: {  	s30 =	sld [smem:$0x0];
	_ =	sdelay $0x2  }
0xb9: {  	s31 =	sshll.u32 s1, $0xD;
	s1 =	sshrl.u32 s1, $0x2  }
0xba: {  	s3 =	sand.u32 $0x4000, s31;
	s1 =	sadd.s32 s1, s30  }
0xbb: {  	s0 =	sor.u32 s3, s0;
	s1 =	sshll.u32 s1, $0x11  }
0xbc: {  	s0 =	sor.u32 s1, s0  }
0xbd: {  	s0 =	sadd.s32 $0x8F2B, s0  }
0xbe: {  	[sflag:s0] =	ssyncadd.remote.s32 $0x1  }
0xbf: {  	_ =	sfence.sel $0xFFFF  }
0xc0: {  	[dreg:$0x0] =	wrdreg $0xFFFFFFFF;
	(pc) =	sbr.abs _section_cstart, $3  }
0xc1: {  	[dreg:$0x1] =	wrdreg $0xFFFFFFFF  }
0xc2: {  	_ =	task.clear_ibuf [dreg:s7], $0x2FFFF;
	_ =	strace $0x9FFFFFFF  }
0xc3: {  	(tm) =	ssettm $0x7FFFFFFF  }
tec
execute0_lowered:
.L_overlay_start_1:
0x0: {  	(tag) =	ssettag $0x1  }
0x1: {  	s6 =	rddreg [dreg:$0x0]  }
0x2: {  	s9 =	rddreg [dreg:$0x1]  }
0x3: {  	s2 =	rddreg [dreg:$0x2]  }
0x4: {  	s0 =	srdreg.scid;
	s1 =	rddreg [dreg:$0x3];
	s3 =	simm.s32 $0x0  }
0x5: {  	s14 =	simm.s32 $0x2800;
	s15 =	simm.s32 $0x1400;
	s16 =	simm.s32 $0x3  }
0x6: {  	s17 =	simm.s32 $0x6800;
	s18 =	simm.s32 $0x1;
	s19 =	simm.s32 $0x2  }
0x7: {  	s20 =	simm.s32 $0x1380;
	s21 =	simm.s32 $0x2700;
	s5 =	sand.u32 $0x1, s0  }
0x8: {  	s22 =	simm.s32 $0x2780;
	s0 =	stileid.u32;
	s7 =	smul.u32 $0x28000, s5  }
0x9: {  	[smem:$0x7FF] =	sst s3;
	s4 =	sadd.s32 $0x5F600, s6;
	s24 =	smul.u32 $0x2800, s0  }
0xa: {  	_ =	strace $0x8000004D;
	s11 =	ssub.s32 $0x2, s5;
	s12 =	smul.u32 $0x50000, s0  }
0xb: {  	s5 =	sadd.s32 $0x2600, s6;
	s30 =	sshrl.u32 s11, $0x1;
	s8 =	sadd.s32 s24, s7  }
0xc: {  	s13 =	sadd.s32 s7, s6;
	s11 =	ssub.s32 s11, s30;
	s31 =	sshrl.u32 s12, $0x2  }
0xd: {  	s10 =	sshrl.u32 s8, $0x3;
	s12 =	sadd.s32 s31, s2;
	s25 =	sadd.s32 $0x86800, s13  }
0xe: {  	s13 =	simm.s32 $0x80;
	s8 =	sadd.s32 s10, s6;
	s6 =	sshll.u32 s0, $0x6  }
0xf: {  	s9 =	sadd.s32 s9, s10;
	s10 =	smax.u32 s11, $0x1;
	s11 =	sshrl.u32 s12, $0x3  }
0x10: {  	s12 =	simm.s32 $0x4;
	s24 =	sadd.s32 s24, s25;
	s8 =	sadd.s32 $0x55600, s8  }
0x11: {  	s25 =	simm.s32 $0x0;
	s7 =	sor.u32 $0x1C03, s6;
	s23 =	sadd.s32 $0x280, s8  }
.LBB2_1:
0x12: {  	[spmem:s11], [sflag:s7] =	dma.local [hbm:s5], $0x2800  }
0x13: {  	[tilespmem:s3], [sflag:$0x4] =	stream.linear.gather [hbm4b:s8+s3], $0x1400, $0x38;
	[tilespmem:$0x1E800] =	vst v63  }
0x14: {  	_ =	swait.ge [sflag:s12], $0x1400  }
0x15: {  	[sflag:s12] =	ssyncset.done $0x0  }
0x16: {  	[sflag:s12] =	ssyncadd.s32 $0xFFFFEC00  }
0x17: {  	[tilespmem:s14], [sflag:$0x1] =	stream.indirect.gather [hbm4b:s4+s13], $0x80, s3, s13, $0xb8;
	[tilespmem:$0x1E800] =	vst v63  }
0x18: {  	_ = 	snop  }
0x19: {  	[tilespmem:s15], [sflag:$0x4] =	stream.linear.gather [hbm4b:s9+s3], $0x1400, $0x38;
	[tilespmem:$0x1E800] =	vst v63  }
0x1a: {  	_ =	swait.ge [sflag:s12], $0x1400  }
0x1b: {  	[sflag:s12] =	ssyncset.done $0x0  }
0x1c: {  	[sflag:s12] =	ssyncadd.s32 $0xFFFFEC00  }
0x1d: {  	_ =	swait.ge [sflag:s16], $0x2800  }
0x1e: {  	[sflag:s16] =	ssyncset.done $0x0  }
0x1f: {  	[sflag:s16] =	ssyncadd.s32 $0xFFFFD800  }
0x20: {  	s26 =	simm.s32 $0x80;
	[bflag:$0x0] =	sbarrier.arrive $0xFFFF  }
0x21: {  	[tilespmem:s17], [sflag:$0x2] =	stream.indirect.gather [hbm4b:s4+s13], $0x80, s26, s13, $0xb8;
	[tilespmem:$0x1E800] =	vst v63  }
0x22: {  	_ =	swait.ge [sflag:s18], $0x4000  }
0x23: {  	[sflag:s18] =	ssyncset.done $0x0  }
0x24: {  	s29 =	simm.s32 $0x1400;
	[sflag:s18] =	ssyncadd.s32 $0xFFFFC000  }
0x25: {  	[spmem:s2] =	stream.indirect.scatter.add.f32 [tilespmem:s14], [sflag:$0x4], $0x80, s29, s13, $0xb8;
	[tilespmem:$0x1E800] =	vst v63  }
0x26: {  	_ =	swait.ge [sflag:s12], $0x4000  }
0x27: {  	[sflag:s12] =	ssyncset.done $0x0  }
0x28: {  	s30 =	simm.s32 $0x100;
	[sflag:s12] =	ssyncadd.s32 $0xFFFFC000  }
0x29: {  	[tilespmem:s14], [sflag:$0x1] =	stream.indirect.gather [hbm4b:s4+s13], $0x80, s30, s13, $0xb8;
	[tilespmem:$0x1E800] =	vst v63  }
0x2a: {  	_ =	swait.ge [sflag:s19], $0x4000  }
0x2b: {  	[sflag:s19] =	ssyncset.done $0x0  }
0x2c: {  	s31 =	simm.s32 $0x1480;
	[sflag:s19] =	ssyncadd.s32 $0xFFFFC000  }
0x2d: {  	[spmem:s2] =	stream.indirect.scatter.add.f32 [tilespmem:s17], [sflag:$0x4], $0x80, s31, s13, $0xb8;
	[tilespmem:$0x1E800] =	vst v63  }
0x2e: {  	_ =	swait.ge [sflag:s12], $0x4000  }
0x2f: {  	s28 =	simm.s32 $0x800;
	s26 =	simm.s32 $0x100;
	[sflag:s12] =	ssyncset.done $0x0  }
.LBB2_2:
0x30: {  	s29 =	sadd.s32 $0x80, s26  }
0x31: {  	[sflag:s12] =	ssyncadd.s32 $0xFFFFC000;
	s30 =	smov.u32 s28;
	s31 =	sadd.s32 $0x400, s28  }
0x32: {  	[tilespmem:s17], [sflag:$0x2] =	stream.indirect.gather [hbm4b:s4+s13], $0x80, s29, s13, $0xb8;
	[tilespmem:$0x1E800] =	vst v63  }
0x33: {  	p0 =	sne.s32 s28, $0x4800;
	_ =	swait.ge [sflag:s18], $0x4000  }
0x34: {  	[sflag:s18] =	ssyncset.done $0x0  }
0x35: {  	s28 =	sadd.s32 $0x1400, s26;
	[sflag:s18] =	ssyncadd.s32 $0xFFFFC000  }
0x36: {  	[spmem:s2] =	stream.indirect.scatter.add.f32 [tilespmem:s14], [sflag:$0x4], $0x80, s28, s13, $0xb8;
	[tilespmem:$0x1E800] =	vst v63  }
0x37: {  	_ =	swait.ge [sflag:s12], $0x4000  }
0x38: {  	[sflag:s12] =	ssyncset.done $0x0  }
0x39: {  	s28 =	sadd.s32 $0x100, s26;
	[sflag:s12] =	ssyncadd.s32 $0xFFFFC000  }
0x3a: {  	[tilespmem:s14], [sflag:$0x1] =	stream.indirect.gather [hbm4b:s4+s13], $0x80, s28, s13, $0xb8;
	[tilespmem:$0x1E800] =	vst v63  }
0x3b: {  	_ =	swait.ge [sflag:s19], $0x4000  }
.Ltmp0:
0x3c: {  	[sflag:s19] =	ssyncset.done $0x0;
	(pc) =	sbr.rel @p0 .LBB2_2-.Ltmp0, $4  }
0x3d: {  	s26 =	sadd.s32 $0x1480, s26;
	[sflag:s19] =	ssyncadd.s32 $0xFFFFC000  }
0x3e: {  	[spmem:s2] =	stream.indirect.scatter.add.f32 [tilespmem:s17], [sflag:$0x4], $0x80, s26, s13, $0xb8;
	[tilespmem:$0x1E800] =	vst v63  }
0x3f: {  	_ =	swait.ge [sflag:s12], $0x4000  }
0x40: {  	s28 =	smov.u32 s31;
	s26 =	sshra.s32 s30, $0x2;
	[sflag:s12] =	ssyncset.done $0x0  }
0x41: {  	s28 =	sadd.s32 $0x80, s26;
	[sflag:s12] =	ssyncadd.s32 $0xFFFFC000  }
0x42: {  	[tilespmem:s17], [sflag:$0x2] =	stream.indirect.gather [hbm4b:s4+s13], $0x80, s28, s13, $0xb8;
	[tilespmem:$0x1E800] =	vst v63  }
0x43: {  	_ =	swait.ge [sflag:s18], $0x4000  }
0x44: {  	[sflag:s18] =	ssyncset.done $0x0  }
0x45: {  	s28 =	sadd.s32 $0x1400, s26;
	[sflag:s18] =	ssyncadd.s32 $0xFFFFC000  }
0x46: {  	[spmem:s2] =	stream.indirect.scatter.add.f32 [tilespmem:s14], [sflag:$0x4], $0x80, s28, s13, $0xb8;
	[tilespmem:$0x1E800] =	vst v63  }
0x47: {  	_ =	swait.ge [sflag:s12], $0x4000  }
0x48: {  	[sflag:s12] =	ssyncset.done $0x0  }
0x49: {  	s28 =	sadd.s32 $0x100, s26;
	[sflag:s12] =	ssyncadd.s32 $0xFFFFC000  }
0x4a: {  	[tilespmem:s14], [sflag:$0x1] =	stream.indirect.gather [hbm4b:s4+s13], $0x80, s28, s13, $0xb8;
	[tilespmem:$0x1E800] =	vst v63  }
0x4b: {  	_ =	swait.ge [sflag:s19], $0x4000  }
0x4c: {  	[sflag:s19] =	ssyncset.done $0x0  }
0x4d: {  	s29 =	sadd.s32 $0x1480, s26;
	[sflag:s19] =	ssyncadd.s32 $0xFFFFC000  }
0x4e: {  	[spmem:s2] =	stream.indirect.scatter.add.f32 [tilespmem:s17], [sflag:$0x4], $0x80, s29, s13, $0xb8;
	[tilespmem:$0x1E800] =	vst v63  }
0x4f: {  	_ =	swait.ge [sflag:s12], $0x4000  }
0x50: {  	[sflag:s12] =	ssyncset.done $0x0  }
0x51: {  	[sflag:s12] =	ssyncadd.s32 $0xFFFFC000  }
0x52: {  	[tilespmem:s17], [sflag:$0x2] =	stream.indirect.gather [hbm4b:s4+s13], $0x80, s20, s13, $0xb8;
	[tilespmem:$0x1E800] =	vst v63  }
0x53: {  	_ =	swait.ge [sflag:s18], $0x4000  }
0x54: {  	[sflag:s18] =	ssyncset.done $0x0  }
0x55: {  	[sflag:s18] =	ssyncadd.s32 $0xFFFFC000  }
0x56: {  	[spmem:s2] =	stream.indirect.scatter.add.f32 [tilespmem:s14], [sflag:$0x4], $0x80, s21, s13, $0xb8;
	[tilespmem:$0x1E800] =	vst v63  }
0x57: {  	_ =	swait.ge [sflag:s12], $0x4000  }
0x58: {  	[sflag:s12] =	ssyncset.done $0x0  }
0x59: {  	[sflag:s12] =	ssyncadd.s32 $0xFFFFC000  }
0x5a: {  	_ =	swait.ge [sflag:s19], $0x4000  }
0x5b: {  	[sflag:s19] =	ssyncset.done $0x0  }
0x5c: {  	[sflag:s19] =	ssyncadd.s32 $0xFFFFC000  }
0x5d: {  	[spmem:s2] =	stream.indirect.scatter.add.f32 [tilespmem:s17], [sflag:$0x4], $0x80, s22, s13, $0xb8;
	[tilespmem:$0x1E800] =	vst v63  }
0x5e: {  	_ =	swait.ge [sflag:s12], $0x4000  }
0x5f: {  	[sflag:s12] =	ssyncset.done $0x0  }
0x60: {  	s30 =	simm.s32 $0x0;
	[sflag:s12] =	ssyncadd.s32 $0xFFFFC000  }
0x61: {  	[tilespmem:s30], [sflag:$0x4] =	stream.linear.gather [hbm4b:s23+s30], $0x1400, $0x38;
	[tilespmem:$0x1E800] =	vst v63  }
0x62: {  	_ =	swait.ge [sflag:s12], $0x1400  }
0x63: {  	[sflag:s12] =	ssyncset.done $0x0  }
0x64: {  	[sflag:s12] =	ssyncadd.s32 $0xFFFFEC00  }
0x65: {  	[tilespmem:s14], [sflag:$0x1] =	stream.indirect.gather [hbm4b:s4+s13], $0x80, s30, s13, $0xb8;
	[tilespmem:$0x1E800] =	vst v63  }
0x66: {  	s28 =	sadd.s32 $0x280, s9  }
0x67: {  	[tilespmem:s15], [sflag:$0x4] =	stream.linear.gather [hbm4b:s28+s30], $0x1400, $0x38;
	[tilespmem:$0x1E800] =	vst v63  }
0x68: {  	_ =	swait.ge [sflag:s12], $0x1400  }
0x69: {  	[sflag:s12] =	ssyncset.done $0x0  }
0x6a: {  	s31 =	simm.s32 $0x80;
	[sflag:s12] =	ssyncadd.s32 $0xFFFFEC00  }
0x6b: {  	[tilespmem:s17], [sflag:$0x2] =	stream.indirect.gather [hbm4b:s4+s13], $0x80, s31, s13, $0xb8;
	[tilespmem:$0x1E800] =	vst v63  }
0x6c: {  	_ =	swait.ge [sflag:s18], $0x4000  }
0x6d: {  	[sflag:s18] =	ssyncset.done $0x0  }
0x6e: {  	s29 =	simm.s32 $0x1400;
	[sflag:s18] =	ssyncadd.s32 $0xFFFFC000  }
0x6f: {  	[spmem:s2] =	stream.indirect.scatter.add.f32 [tilespmem:s14], [sflag:$0x4], $0x80, s29, s13, $0xb8;
	[tilespmem:$0x1E800] =	vst v63  }
0x70: {  	_ =	swait.ge [sflag:s12], $0x4000  }
0x71: {  	[sflag:s12] =	ssyncset.done $0x0  }
0x72: {  	s30 =	simm.s32 $0x100;
	[sflag:s12] =	ssyncadd.s32 $0xFFFFC000  }
0x73: {  	[tilespmem:s14], [sflag:$0x1] =	stream.indirect.gather [hbm4b:s4+s13], $0x80, s30, s13, $0xb8;
	[tilespmem:$0x1E800] =	vst v63  }
0x74: {  	_ =	swait.ge [sflag:s19], $0x4000  }
0x75: {  	[sflag:s19] =	ssyncset.done $0x0  }
0x76: {  	s31 =	simm.s32 $0x1480;
	[sflag:s19] =	ssyncadd.s32 $0xFFFFC000  }
0x77: {  	[spmem:s2] =	stream.indirect.scatter.add.f32 [tilespmem:s17], [sflag:$0x4], $0x80, s31, s13, $0xb8;
	[tilespmem:$0x1E800] =	vst v63  }
0x78: {  	_ =	swait.ge [sflag:s12], $0x4000  }
0x79: {  	s26 =	simm.s32 $0x100;
	s28 =	simm.s32 $0x800;
	[sflag:s12] =	ssyncset.done $0x0  }
.LBB2_4:
0x7a: {  	s29 =	sadd.s32 $0x80, s26  }
0x7b: {  	[sflag:s12] =	ssyncadd.s32 $0xFFFFC000;
	s30 =	smov.u32 s28;
	s31 =	sadd.s32 $0x400, s28  }
0x7c: {  	[tilespmem:s17], [sflag:$0x2] =	stream.indirect.gather [hbm4b:s4+s13], $0x80, s29, s13, $0xb8;
	[tilespmem:$0x1E800] =	vst v63  }
0x7d: {  	p0 =	sne.s32 s28, $0x4800;
	_ =	swait.ge [sflag:s18], $0x4000  }
0x7e: {  	[sflag:s18] =	ssyncset.done $0x0  }
0x7f: {  	s28 =	sadd.s32 $0x1400, s26;
	[sflag:s18] =	ssyncadd.s32 $0xFFFFC000  }
0x80: {  	[spmem:s2] =	stream.indirect.scatter.add.f32 [tilespmem:s14], [sflag:$0x4], $0x80, s28, s13, $0xb8;
	[tilespmem:$0x1E800] =	vst v63  }
0x81: {  	_ =	swait.ge [sflag:s12], $0x4000  }
0x82: {  	[sflag:s12] =	ssyncset.done $0x0  }
0x83: {  	s28 =	sadd.s32 $0x100, s26;
	[sflag:s12] =	ssyncadd.s32 $0xFFFFC000  }
0x84: {  	[tilespmem:s14], [sflag:$0x1] =	stream.indirect.gather [hbm4b:s4+s13], $0x80, s28, s13, $0xb8;
	[tilespmem:$0x1E800] =	vst v63  }
0x85: {  	_ =	swait.ge [sflag:s19], $0x4000  }
.Ltmp1:
0x86: {  	[sflag:s19] =	ssyncset.done $0x0;
	(pc) =	sbr.rel @p0 .LBB2_4-.Ltmp1, $4  }
0x87: {  	s26 =	sadd.s32 $0x1480, s26;
	[sflag:s19] =	ssyncadd.s32 $0xFFFFC000  }
0x88: {  	[spmem:s2] =	stream.indirect.scatter.add.f32 [tilespmem:s17], [sflag:$0x4], $0x80, s26, s13, $0xb8;
	[tilespmem:$0x1E800] =	vst v63  }
0x89: {  	_ =	swait.ge [sflag:s12], $0x4000  }
0x8a: {  	s28 =	smov.u32 s31;
	s26 =	sshra.s32 s30, $0x2;
	[sflag:s12] =	ssyncset.done $0x0  }
0x8b: {  	s28 =	sadd.s32 $0x80, s26;
	[sflag:s12] =	ssyncadd.s32 $0xFFFFC000  }
0x8c: {  	[tilespmem:s17], [sflag:$0x2] =	stream.indirect.gather [hbm4b:s4+s13], $0x80, s28, s13, $0xb8;
	[tilespmem:$0x1E800] =	vst v63  }
0x8d: {  	_ =	swait.ge [sflag:s18], $0x4000  }
0x8e: {  	[sflag:s18] =	ssyncset.done $0x0  }
0x8f: {  	s31 =	sadd.s32 $0x1400, s26;
	[sflag:s18] =	ssyncadd.s32 $0xFFFFC000  }
0x90: {  	[spmem:s2] =	stream.indirect.scatter.add.f32 [tilespmem:s14], [sflag:$0x4], $0x80, s31, s13, $0xb8;
	[tilespmem:$0x1E800] =	vst v63  }
0x91: {  	_ =	swait.ge [sflag:s12], $0x4000  }
0x92: {  	[sflag:s12] =	ssyncset.done $0x0  }
0x93: {  	s29 =	sadd.s32 $0x100, s26;
	[sflag:s12] =	ssyncadd.s32 $0xFFFFC000  }
0x94: {  	[tilespmem:s14], [sflag:$0x1] =	stream.indirect.gather [hbm4b:s4+s13], $0x80, s29, s13, $0xb8;
	[tilespmem:$0x1E800] =	vst v63  }
0x95: {  	_ =	swait.ge [sflag:s19], $0x4000  }
0x96: {  	[sflag:s19] =	ssyncset.done $0x0  }
0x97: {  	s30 =	sadd.s32 $0x1480, s26;
	[sflag:s19] =	ssyncadd.s32 $0xFFFFC000  }
0x98: {  	[spmem:s2] =	stream.indirect.scatter.add.f32 [tilespmem:s17], [sflag:$0x4], $0x80, s30, s13, $0xb8;
	[tilespmem:$0x1E800] =	vst v63  }
0x99: {  	_ =	swait.ge [sflag:s12], $0x4000  }
0x9a: {  	[sflag:s12] =	ssyncset.done $0x0  }
0x9b: {  	[sflag:s12] =	ssyncadd.s32 $0xFFFFC000  }
0x9c: {  	[tilespmem:s17], [sflag:$0x2] =	stream.indirect.gather [hbm4b:s4+s13], $0x80, s20, s13, $0xb8;
	[tilespmem:$0x1E800] =	vst v63  }
0x9d: {  	_ =	swait.ge [sflag:s18], $0x4000  }
0x9e: {  	[sflag:s18] =	ssyncset.done $0x0  }
0x9f: {  	[sflag:s18] =	ssyncadd.s32 $0xFFFFC000  }
0xa0: {  	[spmem:s2] =	stream.indirect.scatter.add.f32 [tilespmem:s14], [sflag:$0x4], $0x80, s21, s13, $0xb8;
	[tilespmem:$0x1E800] =	vst v63  }
0xa1: {  	_ =	swait.ge [sflag:s12], $0x4000  }
0xa2: {  	[sflag:s12] =	ssyncset.done $0x0  }
0xa3: {  	[sflag:s12] =	ssyncadd.s32 $0xFFFFC000  }
0xa4: {  	_ =	swait.ge [sflag:s19], $0x4000  }
0xa5: {  	[sflag:s19] =	ssyncset.done $0x0  }
0xa6: {  	[sflag:s19] =	ssyncadd.s32 $0xFFFFC000  }
0xa7: {  	[spmem:s2] =	stream.indirect.scatter.add.f32 [tilespmem:s17], [sflag:$0x4], $0x80, s22, s13, $0xb8;
	[tilespmem:$0x1E800] =	vst v63  }
0xa8: {  	_ =	swait.ge [sflag:s12], $0x4000  }
0xa9: {  	s25 =	sadd.s32 $0x1, s25;
	[sflag:s12] =	ssyncset.done $0x0  }
0xaa: {  	p0 =	sne.s32 s25, s10;
	[sflag:s12] =	ssyncadd.s32 $0xFFFFC000  }
.Ltmp2:
0xab: {  	s31 =	sor.u32 $0x1C04, s6;
	[bflag:$0x0] =	sbarrier.arrive $0xFFFF;
	(pc) =	sbr.rel @p0 .LBB2_1-.Ltmp2, $4  }
0xac: {  	[hbm:s24], [sflag:s31] =	dma.local [spmem:s11], $0x2800  }
0xad: {  	_ =	swait.ge [sflag:s12], $0x2800  }
0xae: {  	[sflag:s12] =	ssyncset.done $0x0  }
0xaf: {  	[sflag:s12] =	ssyncadd.s32 $0xFFFFD800  }
0xb0: {  	_ =	sfence.sel $0x180000  }
0xb1: {  	[bflag:$0x0] =	sbarrier.arrive $0xFFFF  }
0xb2: {  	p0 =	sne.s32 s0, $0x0;
	_ =	strace $0x9000004D  }
0xb3: {  	s0 =	sadd.s32 @!p0 $0x100000, s1;
	[bflag:$0x2] =	sbarrier.arrive $0xFFFF  }
0xb4: {  	[sflag:s0] =	ssyncadd.tile.s32 @!p0 $0x1;
	_ =	shalt  }
.Lfunc_end2:
_tile_overlayer_lowered:
.L_overlay_start_2:
0xb5: {  	(tag) =	ssettag $0x2  }
0xb6: {  	s0 =	rddreg [dreg:$0x0];
	s2 =	stileid.u32  }
0xb7: {  	s1 =	rddreg [dreg:$0x1];
	p0 =	sne.s32 s2, $0x0  }
0xb8: {  	s3 =	rddreg [dreg:$0x2];
	[bflag:$0x3] =	sbarrier.arrive $0xFFFF;
	s2 =	simm.s32 @!p0 $0x1C04  }
0xb9: {  	[timem:s3], [sflag:s2] =	dma.local @!p0 [hbm:s0], s1  }
0xba: {  	s0 =	simm.s32 @!p0 $0x4  }
0xbb: {  	_ =	swait.ge @!p0 [sflag:s0], s1  }
0xbc: {  	s1 =	ssub.s32 @!p0 $0x0, s1;
	[sflag:s0] =	ssyncset.done @!p0 $0x0  }
0xbd: {  	[sflag:s0] =	ssyncadd.s32 @!p0 s1  }
0xbe: {  	[bflag:$0x3] =	sbarrier.arrive $0xFFFF  }
0xbf: {  	_ =	shalt  }

// kernel: kernel.9.cloned.1.call-start
scs
__scs_entry_jumppad:
0x0: {  	(pc) =	sbr.rel $0x88, $3  }
0x1: {  	(tag) =	ssettag $0x0;
	lr =	simm.s32 $0x1  }
0x2: {  	[smem:$0x3F99] =	sst lr;
	_ =	strace $0xD0000000  }
0x3: {  	_ = 	snop  }
0x4: {  	_ = 	snop  }
0x5: {  	_ = 	snop  }
0x6: {  	_ = 	snop  }
0x7: {  	_ = 	snop  }
__scs_overlays_trampoline_lowered:
0x8: {  	[smem:$0x3FA8] =	sst s0  }
0x9: {  	[smem:$0x3FA9] =	sst s1  }
0xa: {  	[smem:$0x3FAA] =	sst s2  }
0xb: {  	[smem:$0x3FAB] =	sst s3  }
0xc: {  	[smem:$0x3FAC] =	sst s4  }
0xd: {  	[smem:$0x3FAD] =	sst s5  }
0xe: {  	[smem:$0x3FAE] =	sst s6  }
0xf: {  	[smem:$0x3FAF] =	sst s7  }
0x10: {  	[smem:$0x3FB0] =	sst s8  }
0x11: {  	[smem:$0x3FB1] =	sst s9;
	s0 =	simm.s32 @!p0 $0x0  }
0x12: {  	s1 =	sld [smem:$0x3F97];
	s0 =	simm.s32 @p0 $0x1  }
0x13: {  	[smem:$0x3FB2] =	sst s0;
	s0 =	simm.s32 @!p1 $0x0  }
0x14: {  	s2 =	sld [smem:$0x3F96];
	s0 =	simm.s32 @p1 $0x1  }
0x15: {  	[smem:$0x3FB3] =	sst s0;
	s0 =	simm.s32 @!p2 $0x0  }
0x16: {  	s3 =	sld [smem:$0x3FDB];
	s0 =	simm.s32 @p2 $0x1  }
0x17: {  	s4 =	simm.s32 $0x1BF5;
	[smem:$0x3FB5] =	sst s0  }
0x18: {  	s0 =	sld [smem:$0x3F98];
	_ =	swait.ge [sflag:s4], $0x0  }
0x19: {  	s7 =	sld [smem:$0x3F99]  }
0x1a: {  	s8 =	sadd.s32 $0xFFFFE003, lr  }
0x1b: {  	s9 =	sadd.s32 $0xFFFFFEF7, lr;
	s5 =	simm.s32 $0xFFFFFFFF;
	p2 =	slt.u32 s8, $0xFFFFF086  }
0x1c: {  	p1 =	slt.u32 s9, $0xF7A;
	s5 =	simm.s32 @!p2 $0x0  }
0x1d: {  	s5 =	simm.s32 @p1 $0x1;
	p0 =	seq.s32 s7, s2  }
0x1e: {  	s7 =	smul.u32 @!p0 $0xF7A, s2;
	p2 =	seq.s32 @!p0 s5, $0x0  }
0x1f: {  	s9 =	smul.u32 $0xF7A, s1;
	s8 =	simm.s32 @!p0 $0x1BF5;
	p2 =	por !p2, p0  }
0x20: {  	[sflag:s8] =	ssyncset.s32 @!p0 $0xFFFFF086;
	s6 =	sadd.s32 @!p0 s3, s7;
	s7 =	simm.s32 @!p0 $0x108  }
0x21: {  	s3 =	sadd.s32 s3, s9;
	s6 =	sadd.s32 @!p0 $0x88, s6;
	s7 =	simm.s32 @p2 $0x1082  }
0x22: {  	[simem:s7], [sflag:s8] =	dma.local @!p0 [hbm:s6], $0xF7A  }
0x23: {  	s9 =	sor.u32 $0xD0000000, s2;
	s6 =	simm.s32 $0x108;
	_ =	swait.ge @!p0 [sflag:s8], $0x0  }
0x24: {  	s3 =	sadd.s32 $0x88, s3;
	s6 =	simm.s32 @!p1 $0x1082;
	[sflag:s4] =	ssyncset.s32 $0xFFFFF086  }
0x25: {  	[simem:s6], [sflag:s4] =	dma.local [hbm:s3], $0xF7A  }
0x26: {  	[smem:$0x3F99] =	sst s1;
	(tag) =	ssettag s2;
	_ =	strace s9  }
0x27: {  	s1 =	sld [smem:$0x3FA9]  }
0x28: {  	s2 =	sld [smem:$0x3FAA]  }
0x29: {  	s4 =	sld [smem:$0x3FAC]  }
0x2a: {  	p0 =	seq.s32 s5, $0x0;
	s5 =	sld [smem:$0x3FAD]  }
0x2b: {  	s6 =	sld [smem:$0x3FAE]  }
0x2c: {  	s7 =	sld [smem:$0x3FAF]  }
0x2d: {  	s3 =	simm.s32 $0x108;
	s8 =	sld [smem:$0x3FB0]  }
0x2e: {  	s3 =	simm.s32 @!p0 $0x1082;
	s9 =	sld [smem:$0x3FB1]  }
0x2f: {  	lr =	sadd.s32 s0, s3;
	s0 =	sld [smem:$0x3FA8]  }
0x30: {  	s3 =	sld [smem:$0x3FAB]  }
0x31: {  	[smem:$0x3FB4] =	sst s10  }
0x32: {  	s10 =	sld [smem:$0x3FB2];
	_ =	sdelay $0x3  }
0x33: {  	p0 =	seq.s32 s10, $0x1;
	s10 =	sld [smem:$0x3FB4];
	_ =	sdelay $0x3  }
0x34: {  	[smem:$0x3FB4] =	sst s10  }
0x35: {  	s10 =	sld [smem:$0x3FB3];
	_ =	sdelay $0x3  }
0x36: {  	p1 =	seq.s32 s10, $0x1;
	s10 =	sld [smem:$0x3FB4];
	_ =	sdelay $0x3  }
0x37: {  	[smem:$0x3FB4] =	sst s10  }
0x38: {  	s10 =	sld [smem:$0x3FB5]  }
0x39: {  	_ = 	snop;
	(pc) =	sbr.ind lr, $3  }
0x3a: {  	_ = 	snop  }
0x3b: {  	_ = 	snop  }
0x3c: {  	p2 =	seq.s32 s10, $0x1;
	s10 =	sld [smem:$0x3FB4]  }
0x3d: {  	_ =	shalt  }
0x3e: {  	_ =	shalt  }
0x3f: {  	_ =	shalt  }
0x40: {  	_ =	shalt  }
0x41: {  	_ =	shalt  }
0x42: {  	_ =	shalt  }
0x43: {  	_ =	shalt  }
0x44: {  	_ =	shalt  }
0x45: {  	_ =	shalt  }
0x46: {  	_ =	shalt  }
0x47: {  	_ =	shalt  }
0x48: {  	_ =	shalt  }
0x49: {  	_ =	shalt  }
0x4a: {  	_ =	shalt  }
0x4b: {  	_ =	shalt  }
0x4c: {  	_ =	shalt  }
0x4d: {  	_ =	shalt  }
0x4e: {  	_ =	shalt  }
0x4f: {  	_ =	shalt  }
0x50: {  	_ =	shalt  }
0x51: {  	_ =	shalt  }
0x52: {  	_ =	shalt  }
0x53: {  	_ =	shalt  }
0x54: {  	_ =	shalt  }
0x55: {  	_ =	shalt  }
0x56: {  	_ =	shalt  }
0x57: {  	_ =	shalt  }
0x58: {  	_ =	shalt  }
0x59: {  	_ =	shalt  }
0x5a: {  	_ =	shalt  }
0x5b: {  	_ =	shalt  }
0x5c: {  	_ =	shalt  }
0x5d: {  	_ =	shalt  }
0x5e: {  	_ =	shalt  }
0x5f: {  	_ =	shalt  }
0x60: {  	_ =	shalt  }
0x61: {  	_ =	shalt  }
0x62: {  	_ =	shalt  }
0x63: {  	_ =	shalt  }
0x64: {  	_ =	shalt  }
0x65: {  	_ =	shalt  }
0x66: {  	_ =	shalt  }
0x67: {  	_ =	shalt  }
0x68: {  	_ =	shalt  }
0x69: {  	_ =	shalt  }
0x6a: {  	_ =	shalt  }
0x6b: {  	_ =	shalt  }
0x6c: {  	_ =	shalt  }
0x6d: {  	_ =	shalt  }
0x6e: {  	_ =	shalt  }
0x6f: {  	_ =	shalt  }
0x70: {  	_ =	shalt  }
0x71: {  	_ =	shalt  }
0x72: {  	_ =	shalt  }
0x73: {  	_ =	shalt  }
0x74: {  	_ =	shalt  }
0x75: {  	_ =	shalt  }
0x76: {  	_ =	shalt  }
0x77: {  	_ =	shalt  }
0x78: {  	_ =	shalt  }
0x79: {  	_ =	shalt  }
0x7a: {  	_ =	shalt  }
0x7b: {  	_ =	shalt  }
0x7c: {  	_ =	shalt  }
0x7d: {  	_ =	shalt  }
0x7e: {  	_ =	shalt  }
0x7f: {  	_ =	shalt  }
0x80: {  	_ =	shalt  }
0x81: {  	_ =	shalt  }
0x82: {  	_ =	shalt  }
0x83: {  	_ =	shalt  }
0x84: {  	_ =	shalt  }
0x85: {  	_ =	shalt  }
0x86: {  	_ =	shalt  }
0x87: {  	_ =	shalt  }
.Lfunc_end0:
.L_simem_size_0:
called_computation_lowered:
.L_overlay_start_0:
0x88: {  	s2 =	sld [smem:$0x3FD9]  }
0x89: {  	s3 =	sld [smem:$0x3FFE];
	_ =	sdelay $0x1  }
0x8a: {  	s1 =	srdreg.scid  }
0x8b: {  	s0 =	sand.u32 $0x1, s1  }
0x8c: {  	s17 =	sshll.u32 s0, $0xA;
	s2 =	sadd.s32 s3, s2  }
0x8d: {  	s2 =	sadd.s32 s2, s17  }
0x8e: {  	[smem:$0x3FC0] =	sst s2  }
0x8f: {  	_ = 	snop  }
0x90: {  	s2 =	sld [smem:$0x3FD0];
	(tm) =	ssettm $0x1  }
0x91: {  	s18 =	sld [smem:$0x3FFB];
	_ =	sdelay $0x3  }
0x92: {  	_ =	strace s18  }
0x93: {  	s3 =	sld [smem:$0x3FFC];
	_ =	sdelay $0x3  }
0x94: {  	_ =	strace s3  }
0x95: {  	s3 =	sld [smem:$0x3FFD];
	_ =	sdelay $0x3  }
0x96: {  	_ =	strace s3  }
0x97: {  	_ =	strace $0x8FFFFFFF  }
0x98: {  	s19 =	sld [smem:$0x3FDB];
	_ =	sdelay $0x1  }
0x99: {  	s4 =	simm.s32 $_scs_section_size  }
0x9a: {  	s5 =	simm.s32 $_size__tile_overlayer_lowered;
	s6 =	simm.s32 $_tile_overlayer_lowered  }
0x9b: {  	s22 =	simm.s32 $0x1BFF;
	s21 =	sshll.u32 s6, $0x1;
	s3 =	sadd.s32 s4, s19  }
0x9c: {  	s7 =	simm.s32 $0x0;
	s20 =	sshll.u32 s5, $0x1;
	s5 =	sadd.s32 s21, s3  }
0x9d: {  	[timem:s7], [sflag:s22] =	dma.local [hbm:s5], s20  }
0x9e: {  	_ =	swait.ge [sflag:s22], s20  }
0x9f: {  	s4 =	ssub.s32 $0x0, s20;
	[sflag:s22] =	ssyncset.done $0x0  }
0xa0: {  	[sflag:s22] =	ssyncadd.s32 s4;
	_ =	sdelay $0x1  }
0xa1: {  	s23 =	simm.s32 $0x1B8B  }
0xa2: {  	_ =	swait.ge [sflag:s23], $0x1  }
0xa3: {  	[sflag:s23] =	ssyncset.done $0x0  }
0xa4: {  	s25 =	simm.s32 $0x1B8E;
	s24 =	sld [smem:$0x3FFE];
	[sflag:s23] =	ssyncadd.s32 $0xFFFFFFFF  }
0xa5: {  	s26 =	simm.s32 $execute0_lowered;
	[smem:$0x3FD2] =	sst s25  }
0xa6: {  	s5 =	sshll.u32 s26, $0x1;
	_ =	strace $0x80000046;
	[dreg:$0x1] =	wrdreg $0xFFFFFFFF  }
0xa7: {  	s28 =	simm.s32 $_size_execute0_lowered;
	s3 =	sadd.s32 s3, s5;
	[dreg:$0x0] =	wrdreg $0x0  }
0xa8: {  	s5 =	sshll.u32 s28, $0x1;
	[dreg:$0x2] =	wrdreg s3  }
0xa9: {  	[dreg:$0x3] =	wrdreg s5  }
0xaa: {  	[dreg:$0x4] =	wrdreg $0xC0  }
0xab: {  	_ =	task [dreg:s7], $0x5FFFF  }
0xac: {  	[dreg:$0x1] =	wrdreg $0xFFFFFFFF  }
0xad: {  	[dreg:$0x0] =	wrdreg $0x60  }
0xae: {  	[dreg:$0x2] =	wrdreg s2  }
0xaf: {  	[dreg:$0x3] =	wrdreg s24  }
0xb0: {  	[dreg:$0x4] =	wrdreg $0x68000  }
0xb1: {  	[dreg:$0x5] =	wrdreg $0x9  }
0xb2: {  	_ =	task.clear_ibuf [dreg:s7], $0x6FFFF;
	_ =	strace $0x90000046  }
0xb3: {  	s29 =	simm.s32 $0x9;
	_ =	strace $0x80000048  }
0xb4: {  	_ =	swait.ge [sflag:s29], $0x1  }
0xb5: {  	[sflag:s29] =	ssyncadd.s32 $0xFFFFFFFF  }
0xb6: {  	_ =	strace $0x90000048  }
0xb7: {  	_ =	sfence  }
0xb8: {  	s30 =	sld [smem:$0x0];
	_ =	sdelay $0x2  }
0xb9: {  	s31 =	sshll.u32 s1, $0xD;
	s1 =	sshrl.u32 s1, $0x2  }
0xba: {  	s3 =	sand.u32 $0x4000, s31;
	s1 =	sadd.s32 s1, s30  }
0xbb: {  	s0 =	sor.u32 s3, s0;
	s1 =	sshll.u32 s1, $0x11  }
0xbc: {  	s0 =	sor.u32 s1, s0  }
0xbd: {  	s0 =	sadd.s32 $0x8F2B, s0  }
0xbe: {  	[sflag:s0] =	ssyncadd.remote.s32 $0x1  }
0xbf: {  	_ =	sfence.sel $0xFFFF  }
0xc0: {  	[dreg:$0x0] =	wrdreg $0xFFFFFFFF;
	(pc) =	sbr.abs _section_cstart, $3  }
0xc1: {  	[dreg:$0x1] =	wrdreg $0xFFFFFFFF  }
0xc2: {  	_ =	task.clear_ibuf [dreg:s7], $0x2FFFF;
	_ =	strace $0x9FFFFFFF  }
0xc3: {  	(tm) =	ssettm $0x7FFFFFFF  }
tec
execute0_lowered:
.L_overlay_start_1:
0x0: {  	(tag) =	ssettag $0x1  }
0x1: {  	s7 =	rddreg [dreg:$0x0]  }
0x2: {  	s6 =	rddreg [dreg:$0x1]  }
0x3: {  	s1 =	rddreg [dreg:$0x2]  }
0x4: {  	s0 =	rddreg [dreg:$0x3];
	s2 =	simm.s32 $0x0;
	s3 =	srdreg.scid  }
0x5: {  	s12 =	simm.s32 $0x1;
	[smem:$0x7FF] =	sst s2;
	s5 =	sand.u32 $0x1, s3  }
0x6: {  	s13 =	simm.s32 $0x80;
	s3 =	stileid.u32;
	s8 =	smul.u32 $0x28000, s5  }
0x7: {  	s4 =	sadd.s32 $0x4E00, s6;
	_ =	strace $0x80000047;
	s9 =	smul.u32 $0x50000, s3  }
0x8: {  	s10 =	ssub.s32 $0x2, s5;
	s14 =	smul.u32 $0x2800, s3;
	s5 =	sadd.s32 $0x2600, s6  }
0x9: {  	s15 =	sshll.u32 s3, $0x6;
	s30 =	sshrl.u32 s10, $0x1;
	s11 =	sadd.s32 s8, s6  }
0xa: {  	s10 =	ssub.s32 s10, s30;
	s31 =	sshrl.u32 s9, $0x2;
	s8 =	sadd.s32 s14, s8  }
0xb: {  	s6 =	sor.u32 $0x1C01, s15;
	s15 =	sor.u32 $0x1C02, s15;
	s9 =	sadd.s32 s31, s1  }
0xc: {  	s8 =	sshrl.u32 s8, $0x3;
	s16 =	sadd.s32 $0x5600, s11;
	s11 =	simm.s32 $0x2800  }
0xd: {  	s7 =	sadd.s32 s7, s8;
	s8 =	smax.u32 s10, $0x1;
	s9 =	sshrl.u32 s9, $0x3  }
0xe: {  	s10 =	simm.s32 $0x2;
	s14 =	sadd.s32 s14, s16;
	s16 =	simm.s32 $0x0  }
.LBB2_1:
0xf: {  	[spmem:s9], [sflag:s6] =	dma.local [hbm:s5], $0x2800  }
0x10: {  	[tilespmem:s2], [sflag:$0x2] =	stream.linear.gather [hbm4b:s7+s2], $0x2800, $0x38;
	[tilespmem:$0x1A800] =	vst v63  }
0x11: {  	_ =	swait.ge [sflag:s10], $0x2800  }
0x12: {  	[sflag:s10] =	ssyncset.done $0x0  }
0x13: {  	[sflag:s10] =	ssyncadd.s32 $0xFFFFD800  }
0x14: {  	[tilespmem:s11], [sflag:$0x2] =	stream.linear.gather [hbm4b:s4+s2], $0x4000, $0x38;
	[tilespmem:$0x1A800] =	vst v63  }
0x15: {  	_ =	swait.ge [sflag:s10], $0x4000  }
0x16: {  	[sflag:s10] =	ssyncset.done $0x0  }
0x17: {  	[sflag:s10] =	ssyncadd.s32 $0xFFFFC000  }
0x18: {  	_ =	swait.ge [sflag:s12], $0x2800  }
0x19: {  	[sflag:s12] =	ssyncset.done $0x0  }
0x1a: {  	[sflag:s12] =	ssyncadd.s32 $0xFFFFD800  }
0x1b: {  	s17 =	simm.s32 $0x0;
	[bflag:$0x0] =	sbarrier.arrive $0xFFFF  }
0x1c: {  	[spmem:s1] =	stream.indirect.scatter.add.f32 [tilespmem:s11], [sflag:$0x2], $0x80, s17, s13, $0xb8;
	[tilespmem:$0x1A800] =	vst v63  }
0x1d: {  	_ =	swait.ge [sflag:s10], $0x4000  }
0x1e: {  	s17 =	simm.s32 $0x200;
	[sflag:s10] =	ssyncset.done $0x0  }
.LBB2_2:
0x1f: {  	s18 =	sshra.s32 s17, $0x2;
	[sflag:s10] =	ssyncadd.s32 $0xFFFFC000;
	p0 =	sne.s32 s17, $0x9E00  }
0x20: {  	[spmem:s1] =	stream.indirect.scatter.add.f32 [tilespmem:s11], [sflag:$0x2], $0x80, s18, s13, $0xb8;
	[tilespmem:$0x1A800] =	vst v63  }
.Ltmp0:
0x21: {  	_ = 	snop;
	(pc) =	sbr.rel @p0 .LBB2_2-.Ltmp0, $4  }
0x22: {  	_ = 	snop  }
0x23: {  	s17 =	sadd.s32 $0x200, s17  }
0x24: {  	_ =	swait.ge [sflag:s10], $0x4000  }
0x25: {  	[sflag:s10] =	ssyncset.done $0x0  }
0x26: {  	s16 =	sadd.s32 $0x1, s16  }
0x27: {  	[sflag:s10] =	ssyncadd.s32 $0xFFFFC000;
	p0 =	sne.s32 s16, s8  }
.Ltmp1:
0x28: {  	[bflag:$0x0] =	sbarrier.arrive $0xFFFF;
	(pc) =	sbr.rel @p0 .LBB2_1-.Ltmp1, $4  }
0x29: {  	[hbm:s14], [sflag:s15] =	dma.local [spmem:s9], $0x2800  }
0x2a: {  	_ =	swait.ge [sflag:s10], $0x2800  }
0x2b: {  	[sflag:s10] =	ssyncset.done $0x0  }
0x2c: {  	[sflag:s10] =	ssyncadd.s32 $0xFFFFD800  }
0x2d: {  	_ =	sfence.sel $0x180000  }
0x2e: {  	[bflag:$0x0] =	sbarrier.arrive $0xFFFF  }
0x2f: {  	p0 =	sne.s32 s3, $0x0;
	_ =	strace $0x90000047  }
0x30: {  	s0 =	sadd.s32 @!p0 $0x100000, s0;
	[bflag:$0x2] =	sbarrier.arrive $0xFFFF  }
0x31: {  	[sflag:s0] =	ssyncadd.tile.s32 @!p0 $0x1;
	_ =	shalt  }
.Lfunc_end2:
_tile_overlayer_lowered:
.L_overlay_start_2:
0x32: {  	(tag) =	ssettag $0x2  }
0x33: {  	s0 =	rddreg [dreg:$0x0];
	s2 =	stileid.u32  }
0x34: {  	s1 =	rddreg [dreg:$0x1];
	p0 =	sne.s32 s2, $0x0  }
0x35: {  	s3 =	rddreg [dreg:$0x2];
	[bflag:$0x3] =	sbarrier.arrive $0xFFFF;
	s2 =	simm.s32 @!p0 $0x1C02  }
0x36: {  	[timem:s3], [sflag:s2] =	dma.local @!p0 [hbm:s0], s1  }
0x37: {  	s0 =	simm.s32 @!p0 $0x2  }
0x38: {  	_ =	swait.ge @!p0 [sflag:s0], s1  }
0x39: {  	s1 =	ssub.s32 @!p0 $0x0, s1;
	[sflag:s0] =	ssyncset.done @!p0 $0x0  }
0x3a: {  	[sflag:s0] =	ssyncadd.s32 @!p0 s1  }
0x3b: {  	[bflag:$0x3] =	sbarrier.arrive $0xFFFF  }
0x3c: {  	_ =	shalt  }

</sc_bundles>
